<compile_context>
chip_gen: v7x
topology: tpu7x:2x2x1
jax: 0.10.2.dev20260603
libtpu: 0.0.44.dev20260713+nightly
codegen_flags: <defaults>
</compile_context>

<pallas_src>
import functools

import jax
import jax.numpy as jnp
from jax import lax
from jax.experimental import pallas as pl
from jax.experimental.pallas import tpu as pltpu
from jax.experimental.pallas import tpu_sc as plsc

NC = 2
NS = 16
NW = NC * NS
LANES = 16
CHUNK = 512


@jax.jit
def _sc_gather(edge_types, table_t):
    B = edge_types.shape[0]
    D, V = table_t.shape
    n_chunks = B // CHUNK

    mesh = plsc.VectorSubcoreMesh(
        core_axis_name="c", subcore_axis_name="s", num_cores=NC, num_subcores=NS
    )

    @functools.partial(
        pl.kernel,
        out_type=jax.ShapeDtypeStruct((D, B), jnp.float32),
        mesh=mesh,
        scratch_types=[
            pltpu.VMEM((D, V), jnp.float32),
            pltpu.VMEM((CHUNK,), jnp.int32),
            pltpu.VMEM((CHUNK,), jnp.int32),
            pltpu.VMEM((D, CHUNK), jnp.float32),
            pltpu.VMEM((D, CHUNK), jnp.float32),
            pltpu.SemaphoreType.DMA,
            pltpu.SemaphoreType.DMA,
            pltpu.SemaphoreType.DMA,
            pltpu.SemaphoreType.DMA,
        ],
        compiler_params=pltpu.CompilerParams(needs_layout_passes=False),
    )
    def k(idx_hbm, tab_hbm, out_hbm, tab_v, i0, i1, r0, r1, si0, si1, sw0, sw1):
        wid = lax.axis_index("s") * NC + lax.axis_index("c")
        idx_v, rows_v = [i0, i1], [r0, r1]
        sem_i, sem_w = [si0, si1], [sw0, sw1]

        count = n_chunks // NW + jnp.where(wid < n_chunks % NW, 1, 0)

        def chunk_off(kk):
            return (wid + kk * NW) * CHUNK

        def start_idx(kk, b):
            pltpu.make_async_copy(
                idx_hbm.at[pl.ds(chunk_off(kk), CHUNK)], idx_v[b], sem_i[b]
            ).start()

        def wait_idx(b):
            pltpu.make_async_copy(
                idx_hbm.at[pl.ds(0, CHUNK)], idx_v[b], sem_i[b]
            ).wait()

        def start_wb(kk, b):
            pltpu.make_async_copy(
                rows_v[b], out_hbm.at[:, pl.ds(chunk_off(kk), CHUNK)], sem_w[b]
            ).start()

        def wait_wb(b):
            pltpu.make_async_copy(
                rows_v[b], out_hbm.at[:, pl.ds(0, CHUNK)], sem_w[b]
            ).wait()

        start_idx(0, 0)
        start_idx(1, 1)
        pltpu.sync_copy(tab_hbm, tab_v)

        cols = [jnp.full((LANES,), j, jnp.int32) for j in range(D)]

        def compute(b):
            def grp(g, _):
                row_ids = idx_v[b][pl.ds(g * LANES, LANES)]
                vs = [plsc.load_gather(tab_v, [cols[j], row_ids]) for j in range(D)]
                for j in range(D):
                    rows_v[b][j, pl.ds(g * LANES, LANES)] = vs[j]
                return 0

            lax.fori_loop(0, CHUNK // LANES, grp, 0)

        def do_chunk(kk, b, s):
            wait_idx(b)

            @pl.when(s > 0)
            def _():
                wait_wb(b)

            compute(b)

            @pl.when(kk + 2 < count)
            def _():
                start_idx(kk + 2, b)

            start_wb(kk, b)

        def pair(s, _):
            do_chunk(2 * s, 0, s)
            do_chunk(2 * s + 1, 1, s)
            return 0

        lax.fori_loop(0, count // 2, pair, 0)

        @pl.when(count % 2 == 1)
        def _tail():
            do_chunk(count - 1, 0, count // 2)

        wait_wb(0)
        wait_wb(1)

    return k(edge_types, table_t)


def kernel(edge_types, table):
    return _sc_gather(edge_types.astype(jnp.int32), table.T).T

# --- scband reference (transcript-rebuilt; emitter-appended) ---
"""Pipeline reference for scband-edge-type-embedding-29953101922825 (READ-ONLY COPY).

The authoritative reference and input builder live on the scoring server;
editing this copy changes nothing except your own understanding.
"""

import jax, jax.numpy as jnp
import numpy as np

NUM_EDGE_TYPES = 1000
EMBED_DIM = 32
NUM_EDGES = 1600000

def setup_inputs(seed: int = 0) -> dict:
    key = jax.random.key(seed)
    k1, k2 = jax.random.split(key)
    edge_types = jax.random.randint(k1, (NUM_EDGES,), 0, NUM_EDGE_TYPES, dtype=jnp.int64 if jax.config.jax_enable_x64 else jnp.int32)
    # nn.Embedding default init: N(0, 1)
    table = jax.random.normal(k2, (NUM_EDGE_TYPES, EMBED_DIM), dtype=jnp.float32)
    return {"edge_types": edge_types, "table": table}

def reference(edge_types, table):
    # EdgeTypeEmbedding.forward: embedding lookup -> [num_edges, embedding_dim]
    return jnp.take(table, edge_types, axis=0)

if __name__ == "__main__":
    import jax
    _d = setup_inputs()
    print(jax.jit(kernel)(*tuple(_d.values())))

</pallas_src>

<mosaic_0001>
#map = affine_map<(d0, d1) -> (0)>
#map1 = affine_map<(d0, d1) -> (0, 0)>
module attributes {stable_mosaic.version = 14 : i64} {
  func.func @k(%arg0: i32, %arg1: i32, %arg2: memref<1600000xi32, #tpu.memory_space<hbm>>, %arg3: memref<32x1000xf32, #tpu.memory_space<hbm>>, %arg4: memref<32x1600000xf32, #tpu.memory_space<hbm>>, %arg5: memref<32x1000xf32, #tpu.memory_space<vmem>>, %arg6: memref<512xi32, #tpu.memory_space<vmem>>, %arg7: memref<512xi32, #tpu.memory_space<vmem>>, %arg8: memref<32x512xf32, #tpu.memory_space<vmem>>, %arg9: memref<32x512xf32, #tpu.memory_space<vmem>>, %arg10: memref<!tpu.dma_semaphore, #tpu.memory_space<semaphore_mem>>, %arg11: memref<!tpu.dma_semaphore, #tpu.memory_space<semaphore_mem>>, %arg12: memref<!tpu.dma_semaphore, #tpu.memory_space<semaphore_mem>>, %arg13: memref<!tpu.dma_semaphore, #tpu.memory_space<semaphore_mem>>) attributes {dimension_semantics = [#tpu.dimension_semantics<core_parallel>, #tpu.dimension_semantics<subcore_parallel>], iteration_bounds = array<i64: 2, 16>, scalar_prefetch = 0 : i64, scratch_operands = 9 : i64, tpu.core_type = #tpu.core_type<sc_vector_subcore>, window_params = [{transform_indices = #map}, {transform_indices = #map1}, {transform_indices = #map1}]} {
    %mul3A = arith.constant 2 : i32
    %mul3A_0 = arith.muli %arg1, %mul3A : i32
    %add3A = arith.addi %mul3A_0, %arg0 : i32
    %lt3A = arith.constant 21 : i32
    %lt3A_1 = arith.cmpi slt, %add3A, %lt3A : i32
    %jit3A = arith.constant 1 : i32
    %jit3A_2 = arith.constant 0 : i32
    %select_n3A = arith.select %lt3A_1, %jit3A, %jit3A_2 : i32
    %add3A_3 = arith.constant 97 : i32
    %add3A_4 = arith.addi %add3A_3, %select_n3A : i32
    %add3A_5 = arith.constant 0 : i32
    %add3A_6 = arith.addi %add3A, %add3A_5 : i32
    %mul3A_7 = arith.constant 512 : i32
    %mul3A_8 = arith.muli %add3A_6, %mul3A_7 : i32
    %dma_start3A = tpu.memref_slice %arg2[%mul3A_8] : memref<1600000xi32, #tpu.memory_space<hbm>> -> memref<512xi32, #tpu.memory_space<hbm>>
    %dma_start3A_9 = tpu.memref_slice %arg2[%mul3A_8] : memref<1600000xi32, #tpu.memory_space<hbm>> -> memref<512xi32, #tpu.memory_space<hbm>>
    tpu.enqueue_dma source(%dma_start3A_9 : memref<512xi32, #tpu.memory_space<hbm>>) target(%arg6 : memref<512xi32, #tpu.memory_space<vmem>>) target_semaphore(%arg10 : memref<!tpu.dma_semaphore, #tpu.memory_space<semaphore_mem>>)
    %add3A_10 = arith.constant 32 : i32
    %add3A_11 = arith.addi %add3A, %add3A_10 : i32
    %mul3A_12 = arith.constant 512 : i32
    %mul3A_13 = arith.muli %add3A_11, %mul3A_12 : i32
    %dma_start3A_14 = tpu.memref_slice %arg2[%mul3A_13] : memref<1600000xi32, #tpu.memory_space<hbm>> -> memref<512xi32, #tpu.memory_space<hbm>>
    %dma_start3A_15 = tpu.memref_slice %arg2[%mul3A_13] : memref<1600000xi32, #tpu.memory_space<hbm>> -> memref<512xi32, #tpu.memory_space<hbm>>
    tpu.enqueue_dma source(%dma_start3A_15 : memref<512xi32, #tpu.memory_space<hbm>>) target(%arg7 : memref<512xi32, #tpu.memory_space<vmem>>) target_semaphore(%arg11 : memref<!tpu.dma_semaphore, #tpu.memory_space<semaphore_mem>>)
    "tpu.region"() ({
      %run_scoped3A = tpu.sem_alloc : memref<!tpu.dma_semaphore, #tpu.memory_space<semaphore_mem>>
      tpu.enqueue_dma source(%arg3 : memref<32x1000xf32, #tpu.memory_space<hbm>>) target(%arg5 : memref<32x1000xf32, #tpu.memory_space<vmem>>) target_semaphore(%run_scoped3A : memref<!tpu.dma_semaphore, #tpu.memory_space<semaphore_mem>>)
      tpu.wait_dma2 semaphore(%run_scoped3A : memref<!tpu.dma_semaphore, #tpu.memory_space<semaphore_mem>>) src(%arg3 : memref<32x1000xf32, #tpu.memory_space<hbm>>) dst(%arg5 : memref<32x1000xf32, #tpu.memory_space<vmem>>)
      tpu.yield
    }) : () -> ()
    %broadcast_in_dim3A = arith.constant 0 : i32
    %broadcast_in_dim3A_16 = vector.broadcast %broadcast_in_dim3A : i32 to vector<16xi32>
    %broadcast_in_dim3A_17 = arith.constant 1 : i32
    %broadcast_in_dim3A_18 = vector.broadcast %broadcast_in_dim3A_17 : i32 to vector<16xi32>
    %broadcast_in_dim3A_19 = arith.constant 2 : i32
    %broadcast_in_dim3A_20 = vector.broadcast %broadcast_in_dim3A_19 : i32 to vector<16xi32>
    %broadcast_in_dim3A_21 = arith.constant 3 : i32
    %broadcast_in_dim3A_22 = vector.broadcast %broadcast_in_dim3A_21 : i32 to vector<16xi32>
    %broadcast_in_dim3A_23 = arith.constant 4 : i32
    %broadcast_in_dim3A_24 = vector.broadcast %broadcast_in_dim3A_23 : i32 to vector<16xi32>
    %broadcast_in_dim3A_25 = arith.constant 5 : i32
    %broadcast_in_dim3A_26 = vector.broadcast %broadcast_in_dim3A_25 : i32 to vector<16xi32>
    %broadcast_in_dim3A_27 = arith.constant 6 : i32
    %broadcast_in_dim3A_28 = vector.broadcast %broadcast_in_dim3A_27 : i32 to vector<16xi32>
    %broadcast_in_dim3A_29 = arith.constant 7 : i32
    %broadcast_in_dim3A_30 = vector.broadcast %broadcast_in_dim3A_29 : i32 to vector<16xi32>
    %broadcast_in_dim3A_31 = arith.constant 8 : i32
    %broadcast_in_dim3A_32 = vector.broadcast %broadcast_in_dim3A_31 : i32 to vector<16xi32>
    %broadcast_in_dim3A_33 = arith.constant 9 : i32
    %broadcast_in_dim3A_34 = vector.broadcast %broadcast_in_dim3A_33 : i32 to vector<16xi32>
    %broadcast_in_dim3A_35 = arith.constant 10 : i32
    %broadcast_in_dim3A_36 = vector.broadcast %broadcast_in_dim3A_35 : i32 to vector<16xi32>
    %broadcast_in_dim3A_37 = arith.constant 11 : i32
    %broadcast_in_dim3A_38 = vector.broadcast %broadcast_in_dim3A_37 : i32 to vector<16xi32>
    %broadcast_in_dim3A_39 = arith.constant 12 : i32
    %broadcast_in_dim3A_40 = vector.broadcast %broadcast_in_dim3A_39 : i32 to vector<16xi32>
    %broadcast_in_dim3A_41 = arith.constant 13 : i32
    %broadcast_in_dim3A_42 = vector.broadcast %broadcast_in_dim3A_41 : i32 to vector<16xi32>
    %broadcast_in_dim3A_43 = arith.constant 14 : i32
    %broadcast_in_dim3A_44 = vector.broadcast %broadcast_in_dim3A_43 : i32 to vector<16xi32>
    %broadcast_in_dim3A_45 = arith.constant 15 : i32
    %broadcast_in_dim3A_46 = vector.broadcast %broadcast_in_dim3A_45 : i32 to vector<16xi32>
    %broadcast_in_dim3A_47 = arith.constant 16 : i32
    %broadcast_in_dim3A_48 = vector.broadcast %broadcast_in_dim3A_47 : i32 to vector<16xi32>
    %broadcast_in_dim3A_49 = arith.constant 17 : i32
    %broadcast_in_dim3A_50 = vector.broadcast %broadcast_in_dim3A_49 : i32 to vector<16xi32>
    %broadcast_in_dim3A_51 = arith.constant 18 : i32
    %broadcast_in_dim3A_52 = vector.broadcast %broadcast_in_dim3A_51 : i32 to vector<16xi32>
    %broadcast_in_dim3A_53 = arith.constant 19 : i32
    %broadcast_in_dim3A_54 = vector.broadcast %broadcast_in_dim3A_53 : i32 to vector<16xi32>
    %broadcast_in_dim3A_55 = arith.constant 20 : i32
    %broadcast_in_dim3A_56 = vector.broadcast %broadcast_in_dim3A_55 : i32 to vector<16xi32>
    %broadcast_in_dim3A_57 = arith.constant 21 : i32
    %broadcast_in_dim3A_58 = vector.broadcast %broadcast_in_dim3A_57 : i32 to vector<16xi32>
    %broadcast_in_dim3A_59 = arith.constant 22 : i32
    %broadcast_in_dim3A_60 = vector.broadcast %broadcast_in_dim3A_59 : i32 to vector<16xi32>
    %broadcast_in_dim3A_61 = arith.constant 23 : i32
    %broadcast_in_dim3A_62 = vector.broadcast %broadcast_in_dim3A_61 : i32 to vector<16xi32>
    %broadcast_in_dim3A_63 = arith.constant 24 : i32
    %broadcast_in_dim3A_64 = vector.broadcast %broadcast_in_dim3A_63 : i32 to vector<16xi32>
    %broadcast_in_dim3A_65 = arith.constant 25 : i32
    %broadcast_in_dim3A_66 = vector.broadcast %broadcast_in_dim3A_65 : i32 to vector<16xi32>
    %broadcast_in_dim3A_67 = arith.constant 26 : i32
    %broadcast_in_dim3A_68 = vector.broadcast %broadcast_in_dim3A_67 : i32 to vector<16xi32>
    %broadcast_in_dim3A_69 = arith.constant 27 : i32
    %broadcast_in_dim3A_70 = vector.broadcast %broadcast_in_dim3A_69 : i32 to vector<16xi32>
    %broadcast_in_dim3A_71 = arith.constant 28 : i32
    %broadcast_in_dim3A_72 = vector.broadcast %broadcast_in_dim3A_71 : i32 to vector<16xi32>
    %broadcast_in_dim3A_73 = arith.constant 29 : i32
    %broadcast_in_dim3A_74 = vector.broadcast %broadcast_in_dim3A_73 : i32 to vector<16xi32>
    %broadcast_in_dim3A_75 = arith.constant 30 : i32
    %broadcast_in_dim3A_76 = vector.broadcast %broadcast_in_dim3A_75 : i32 to vector<16xi32>
    %broadcast_in_dim3A_77 = arith.constant 31 : i32
    %broadcast_in_dim3A_78 = vector.broadcast %broadcast_in_dim3A_77 : i32 to vector<16xi32>
    %jit3A_79 = arith.constant 2 : i32
    %div3A = arith.divsi %add3A_4, %jit3A_79 : i32
    %sign3A = arith.constant 0 : i32
    %sign3A_80 = arith.cmpi sgt, %add3A_4, %sign3A : i32
    %sign3A_81 = arith.extui %sign3A_80 : i1 to i32
    %sign3A_82 = arith.constant 0 : i32
    %sign3A_83 = arith.cmpi slt, %add3A_4, %sign3A_82 : i32
    %sign3A_84 = arith.extui %sign3A_83 : i1 to i32
    %sign3A_85 = arith.subi %sign3A_81, %sign3A_84 : i32
    %sign3A_86 = arith.constant 0 : i32
    %sign3A_87 = arith.cmpi sgt, %jit3A_79, %sign3A_86 : i32
    %sign3A_88 = arith.extui %sign3A_87 : i1 to i32
    %sign3A_89 = arith.constant 0 : i32
    %sign3A_90 = arith.cmpi slt, %jit3A_79, %sign3A_89 : i32
    %sign3A_91 = arith.extui %sign3A_90 : i1 to i32
    %sign3A_92 = arith.subi %sign3A_88, %sign3A_91 : i32
    %ne3A = arith.cmpi ne, %sign3A_85, %sign3A_92 : i32
    %rem3A = arith.remsi %add3A_4, %jit3A_79 : i32
    %ne3A_93 = arith.constant 0 : i32
    %ne3A_94 = arith.cmpi ne, %rem3A, %ne3A_93 : i32
    %and3A = arith.andi %ne3A, %ne3A_94 : i1
    %sub3A = arith.constant 1 : i32
    %sub3A_95 = arith.subi %div3A, %sub3A : i32
    %select_n3A_96 = arith.select %and3A, %sub3A_95, %div3A : i32
    %while3A = arith.constant 0 : i32
    %while3A_97 = arith.constant 0 : i32
    %while3A_98 = arith.subi %select_n3A_96, %while3A : i32
    %while3A_99 = arith.addi %while3A, %while3A_98 : i32
    %while3A_100 = arith.constant 1 : i32
    %while3A_101 = arith.divsi %while3A_98, %while3A_100 : i32
    %while3A_102 = arith.muli %while3A_101, %while3A_100 : i32
    %while3A_103 = arith.addi %while3A, %while3A_102 : i32
    %while3A_104 = arith.constant 1 : i32
    %while3A_105 = scf.for %while3A_137 = %while3A to %while3A_103 step %while3A_104 iter_args(%while3A_138 = %while3A_97) -> (i32)  : i32 {
      %mul3A_139 = arith.constant 2 : i32
      %mul3A_140 = arith.muli %mul3A_139, %while3A_137 : i32
      %dma_wait3A_141 = arith.constant 0 : i32
      %dma_wait3A_142 = tpu.memref_slice %arg2[%dma_wait3A_141] : memref<1600000xi32, #tpu.memory_space<hbm>> -> memref<512xi32, #tpu.memory_space<hbm>>
      %dma_wait3A_143 = arith.constant 0 : i32
      %dma_wait3A_144 = tpu.memref_slice %arg2[%dma_wait3A_143] : memref<1600000xi32, #tpu.memory_space<hbm>> -> memref<512xi32, #tpu.memory_space<hbm>>
      tpu.wait_dma2 semaphore(%arg10 : memref<!tpu.dma_semaphore, #tpu.memory_space<semaphore_mem>>) src(%dma_wait3A_144 : memref<512xi32, #tpu.memory_space<hbm>>) dst(%arg6 : memref<512xi32, #tpu.memory_space<vmem>>)
      %gt3A = arith.constant 0 : i32
      %gt3A_145 = arith.cmpi sgt, %while3A_137, %gt3A : i32
      %convert_element_type3A_146 = arith.extui %gt3A_145 : i1 to i32
      %cond3A_147 = arith.constant 0 : i32
      %cond3A_148 = arith.cmpi ne, %convert_element_type3A_146, %cond3A_147 : i32
      scf.if %cond3A_148 {
        %dma_wait3A_206 = arith.constant 0 : i32
        %dma_wait3A_207 = arith.constant 0 : i32
        %dma_wait3A_208 = tpu.memref_slice %arg4[%dma_wait3A_206, %dma_wait3A_207] : memref<32x1600000xf32, #tpu.memory_space<hbm>> -> memref<32x512xf32, #tpu.memory_space<hbm>>
        %dma_wait3A_209 = arith.constant 0 : i32
        %dma_wait3A_210 = arith.constant 0 : i32
        %dma_wait3A_211 = tpu.memref_slice %arg4[%dma_wait3A_209, %dma_wait3A_210] : memref<32x1600000xf32, #tpu.memory_space<hbm>> -> memref<32x512xf32, #tpu.memory_space<hbm>>
        tpu.wait_dma2 semaphore(%arg12 : memref<!tpu.dma_semaphore, #tpu.memory_space<semaphore_mem>>) src(%arg8 : memref<32x512xf32, #tpu.memory_space<vmem>>) dst(%dma_wait3A_211 : memref<32x512xf32, #tpu.memory_space<hbm>>)
      } else {
      }
      %scan3A = arith.constant 0 : i32
      %scan3A_149 = arith.constant 0 : i32
      %scan3A_150 = arith.constant 32 : i32
      %scan3A_151 = arith.addi %scan3A_149, %scan3A_150 : i32
      %scan3A_152 = arith.constant 1 : i32
      %scan3A_153 = scf.for %scan3A_206 = %scan3A_149 to %scan3A_151 step %scan3A_152 iter_args(%scan3A_207 = %scan3A) -> (i32)  : i32 {
        %mul3A_208 = arith.constant 16 : i32
        %mul3A_209 = arith.muli %scan3A_206, %mul3A_208 : i32
        %get3A = arith.index_cast %mul3A_209 : i32 to index
        %get3A_210 = tpu.vector_load %arg6[%get3A] {strides = array<i32>} : memref<512xi32, #tpu.memory_space<vmem>>, vector<16xi32>,
        %gather3A = tpu.vector_load_idx %arg5[%broadcast_in_dim3A_16, %get3A_210] : memref<32x1000xf32, #tpu.memory_space<vmem>>[vector<16xi32>, vector<16xi32>], vector<16xf32>,
        %gather3A_211 = tpu.vector_load_idx %arg5[%broadcast_in_dim3A_18, %get3A_210] : memref<32x1000xf32, #tpu.memory_space<vmem>>[vector<16xi32>, vector<16xi32>], vector<16xf32>,
        %gather3A_212 = tpu.vector_load_idx %arg5[%broadcast_in_dim3A_20, %get3A_210] : memref<32x1000xf32, #tpu.memory_space<vmem>>[vector<16xi32>, vector<16xi32>], vector<16xf32>,
        %gather3A_213 = tpu.vector_load_idx %arg5[%broadcast_in_dim3A_22, %get3A_210] : memref<32x1000xf32, #tpu.memory_space<vmem>>[vector<16xi32>, vector<16xi32>], vector<16xf32>,
        %gather3A_214 = tpu.vector_load_idx %arg5[%broadcast_in_dim3A_24, %get3A_210] : memref<32x1000xf32, #tpu.memory_space<vmem>>[vector<16xi32>, vector<16xi32>], vector<16xf32>,
        %gather3A_215 = tpu.vector_load_idx %arg5[%broadcast_in_dim3A_26, %get3A_210] : memref<32x1000xf32, #tpu.memory_space<vmem>>[vector<16xi32>, vector<16xi32>], vector<16xf32>,
        %gather3A_216 = tpu.vector_load_idx %arg5[%broadcast_in_dim3A_28, %get3A_210] : memref<32x1000xf32, #tpu.memory_space<vmem>>[vector<16xi32>, vector<16xi32>], vector<16xf32>,
        %gather3A_217 = tpu.vector_load_idx %arg5[%broadcast_in_dim3A_30, %get3A_210] : memref<32x1000xf32, #tpu.memory_space<vmem>>[vector<16xi32>, vector<16xi32>], vector<16xf32>,
        %gather3A_218 = tpu.vector_load_idx %arg5[%broadcast_in_dim3A_32, %get3A_210] : memref<32x1000xf32, #tpu.memory_space<vmem>>[vector<16xi32>, vector<16xi32>], vector<16xf32>,
        %gather3A_219 = tpu.vector_load_idx %arg5[%broadcast_in_dim3A_34, %get3A_210] : memref<32x1000xf32, #tpu.memory_space<vmem>>[vector<16xi32>, vector<16xi32>], vector<16xf32>,
        %gather3A_220 = tpu.vector_load_idx %arg5[%broadcast_in_dim3A_36, %get3A_210] : memref<32x1000xf32, #tpu.memory_space<vmem>>[vector<16xi32>, vector<16xi32>], vector<16xf32>,
        %gather3A_221 = tpu.vector_load_idx %arg5[%broadcast_in_dim3A_38, %get3A_210] : memref<32x1000xf32, #tpu.memory_space<vmem>>[vector<16xi32>, vector<16xi32>], vector<16xf32>,
        %gather3A_222 = tpu.vector_load_idx %arg5[%broadcast_in_dim3A_40, %get3A_210] : memref<32x1000xf32, #tpu.memory_space<vmem>>[vector<16xi32>, vector<16xi32>], vector<16xf32>,
        %gather3A_223 = tpu.vector_load_idx %arg5[%broadcast_in_dim3A_42, %get3A_210] : memref<32x1000xf32, #tpu.memory_space<vmem>>[vector<16xi32>, vector<16xi32>], vector<16xf32>,
        %gather3A_224 = tpu.vector_load_idx %arg5[%broadcast_in_dim3A_44, %get3A_210] : memref<32x1000xf32, #tpu.memory_space<vmem>>[vector<16xi32>, vector<16xi32>], vector<16xf32>,
        %gather3A_225 = tpu.vector_load_idx %arg5[%broadcast_in_dim3A_46, %get3A_210] : memref<32x1000xf32, #tpu.memory_space<vmem>>[vector<16xi32>, vector<16xi32>], vector<16xf32>,
        %gather3A_226 = tpu.vector_load_idx %arg5[%broadcast_in_dim3A_48, %get3A_210] : memref<32x1000xf32, #tpu.memory_space<vmem>>[vector<16xi32>, vector<16xi32>], vector<16xf32>,
        %gather3A_227 = tpu.vector_load_idx %arg5[%broadcast_in_dim3A_50, %get3A_210] : memref<32x1000xf32, #tpu.memory_space<vmem>>[vector<16xi32>, vector<16xi32>], vector<16xf32>,
        %gather3A_228 = tpu.vector_load_idx %arg5[%broadcast_in_dim3A_52, %get3A_210] : memref<32x1000xf32, #tpu.memory_space<vmem>>[vector<16xi32>, vector<16xi32>], vector<16xf32>,
        %gather3A_229 = tpu.vector_load_idx %arg5[%broadcast_in_dim3A_54, %get3A_210] : memref<32x1000xf32, #tpu.memory_space<vmem>>[vector<16xi32>, vector<16xi32>], vector<16xf32>,
        %gather3A_230 = tpu.vector_load_idx %arg5[%broadcast_in_dim3A_56, %get3A_210] : memref<32x1000xf32, #tpu.memory_space<vmem>>[vector<16xi32>, vector<16xi32>], vector<16xf32>,
        %gather3A_231 = tpu.vector_load_idx %arg5[%broadcast_in_dim3A_58, %get3A_210] : memref<32x1000xf32, #tpu.memory_space<vmem>>[vector<16xi32>, vector<16xi32>], vector<16xf32>,
        %gather3A_232 = tpu.vector_load_idx %arg5[%broadcast_in_dim3A_60, %get3A_210] : memref<32x1000xf32, #tpu.memory_space<vmem>>[vector<16xi32>, vector<16xi32>], vector<16xf32>,
        %gather3A_233 = tpu.vector_load_idx %arg5[%broadcast_in_dim3A_62, %get3A_210] : memref<32x1000xf32, #tpu.memory_space<vmem>>[vector<16xi32>, vector<16xi32>], vector<16xf32>,
        %gather3A_234 = tpu.vector_load_idx %arg5[%broadcast_in_dim3A_64, %get3A_210] : memref<32x1000xf32, #tpu.memory_space<vmem>>[vector<16xi32>, vector<16xi32>], vector<16xf32>,
        %gather3A_235 = tpu.vector_load_idx %arg5[%broadcast_in_dim3A_66, %get3A_210] : memref<32x1000xf32, #tpu.memory_space<vmem>>[vector<16xi32>, vector<16xi32>], vector<16xf32>,
        %gather3A_236 = tpu.vector_load_idx %arg5[%broadcast_in_dim3A_68, %get3A_210] : memref<32x1000xf32, #tpu.memory_space<vmem>>[vector<16xi32>, vector<16xi32>], vector<16xf32>,
        %gather3A_237 = tpu.vector_load_idx %arg5[%broadcast_in_dim3A_70, %get3A_210] : memref<32x1000xf32, #tpu.memory_space<vmem>>[vector<16xi32>, vector<16xi32>], vector<16xf32>,
        %gather3A_238 = tpu.vector_load_idx %arg5[%broadcast_in_dim3A_72, %get3A_210] : memref<32x1000xf32, #tpu.memory_space<vmem>>[vector<16xi32>, vector<16xi32>], vector<16xf32>,
        %gather3A_239 = tpu.vector_load_idx %arg5[%broadcast_in_dim3A_74, %get3A_210] : memref<32x1000xf32, #tpu.memory_space<vmem>>[vector<16xi32>, vector<16xi32>], vector<16xf32>,
        %gather3A_240 = tpu.vector_load_idx %arg5[%broadcast_in_dim3A_76, %get3A_210] : memref<32x1000xf32, #tpu.memory_space<vmem>>[vector<16xi32>, vector<16xi32>], vector<16xf32>,
        %gather3A_241 = tpu.vector_load_idx %arg5[%broadcast_in_dim3A_78, %get3A_210] : memref<32x1000xf32, #tpu.memory_space<vmem>>[vector<16xi32>, vector<16xi32>], vector<16xf32>,
        %mul3A_242 = arith.constant 16 : i32
        %mul3A_243 = arith.muli %scan3A_206, %mul3A_242 : i32
        %swap3A = arith.constant 0 : i32
        %swap3A_244 = arith.index_cast %swap3A : i32 to index
        %swap3A_245 = arith.index_cast %mul3A_243 : i32 to index
        %swap3A_246 = tpu.vector_load %arg8[%swap3A_244, %swap3A_245] {strides = array<i32>} : memref<32x512xf32, #tpu.memory_space<vmem>>, vector<16xf32>,
        tpu.vector_store %arg8[%swap3A_244, %swap3A_245], %gather3A {strides = array<i32>} : memref<32x512xf32, #tpu.memory_space<vmem>>, vector<16xf32>,
        %mul3A_247 = arith.constant 16 : i32
        %mul3A_248 = arith.muli %scan3A_206, %mul3A_247 : i32
        %swap3A_249 = arith.constant 1 : i32
        %swap3A_250 = arith.index_cast %swap3A_249 : i32 to index
        %swap3A_251 = arith.index_cast %mul3A_248 : i32 to index
        %swap3A_252 = tpu.vector_load %arg8[%swap3A_250, %swap3A_251] {strides = array<i32>} : memref<32x512xf32, #tpu.memory_space<vmem>>, vector<16xf32>,
        tpu.vector_store %arg8[%swap3A_250, %swap3A_251], %gather3A_211 {strides = array<i32>} : memref<32x512xf32, #tpu.memory_space<vmem>>, vector<16xf32>,
        %mul3A_253 = arith.constant 16 : i32
        %mul3A_254 = arith.muli %scan3A_206, %mul3A_253 : i32
        %swap3A_255 = arith.constant 2 : i32
        %swap3A_256 = arith.index_cast %swap3A_255 : i32 to index
        %swap3A_257 = arith.index_cast %mul3A_254 : i32 to index
        %swap3A_258 = tpu.vector_load %arg8[%swap3A_256, %swap3A_257] {strides = array<i32>} : memref<32x512xf32, #tpu.memory_space<vmem>>, vector<16xf32>,
        tpu.vector_store %arg8[%swap3A_256, %swap3A_257], %gather3A_212 {strides = array<i32>} : memref<32x512xf32, #tpu.memory_space<vmem>>, vector<16xf32>,
        %mul3A_259 = arith.constant 16 : i32
        %mul3A_260 = arith.muli %scan3A_206, %mul3A_259 : i32
        %swap3A_261 = arith.constant 3 : i32
        %swap3A_262 = arith.index_cast %swap3A_261 : i32 to index
        %swap3A_263 = arith.index_cast %mul3A_260 : i32 to index
        %swap3A_264 = tpu.vector_load %arg8[%swap3A_262, %swap3A_263] {strides = array<i32>} : memref<32x512xf32, #tpu.memory_space<vmem>>, vector<16xf32>,
        tpu.vector_store %arg8[%swap3A_262, %swap3A_263], %gather3A_213 {strides = array<i32>} : memref<32x512xf32, #tpu.memory_space<vmem>>, vector<16xf32>,
        %mul3A_265 = arith.constant 16 : i32
        %mul3A_266 = arith.muli %scan3A_206, %mul3A_265 : i32
        %swap3A_267 = arith.constant 4 : i32
        %swap3A_268 = arith.index_cast %swap3A_267 : i32 to index
        %swap3A_269 = arith.index_cast %mul3A_266 : i32 to index
        %swap3A_270 = tpu.vector_load %arg8[%swap3A_268, %swap3A_269] {strides = array<i32>} : memref<32x512xf32, #tpu.memory_space<vmem>>, vector<16xf32>,
        tpu.vector_store %arg8[%swap3A_268, %swap3A_269], %gather3A_214 {strides = array<i32>} : memref<32x512xf32, #tpu.memory_space<vmem>>, vector<16xf32>,
        %mul3A_271 = arith.constant 16 : i32
        %mul3A_272 = arith.muli %scan3A_206, %mul3A_271 : i32
        %swap3A_273 = arith.constant 5 : i32
        %swap3A_274 = arith.index_cast %swap3A_273 : i32 to index
        %swap3A_275 = arith.index_cast %mul3A_272 : i32 to index
        %swap3A_276 = tpu.vector_load %arg8[%swap3A_274, %swap3A_275] {strides = array<i32>} : memref<32x512xf32, #tpu.memory_space<vmem>>, vector<16xf32>,
        tpu.vector_store %arg8[%swap3A_274, %swap3A_275], %gather3A_215 {strides = array<i32>} : memref<32x512xf32, #tpu.memory_space<vmem>>, vector<16xf32>,
        %mul3A_277 = arith.constant 16 : i32
        %mul3A_278 = arith.muli %scan3A_206, %mul3A_277 : i32
        %swap3A_279 = arith.constant 6 : i32
        %swap3A_280 = arith.index_cast %swap3A_279 : i32 to index
        %swap3A_281 = arith.index_cast %mul3A_278 : i32 to index
        %swap3A_282 = tpu.vector_load %arg8[%swap3A_280, %swap3A_281] {strides = array<i32>} : memref<32x512xf32, #tpu.memory_space<vmem>>, vector<16xf32>,
        tpu.vector_store %arg8[%swap3A_280, %swap3A_281], %gather3A_216 {strides = array<i32>} : memref<32x512xf32, #tpu.memory_space<vmem>>, vector<16xf32>,
        %mul3A_283 = arith.constant 16 : i32
        %mul3A_284 = arith.muli %scan3A_206, %mul3A_283 : i32
        %swap3A_285 = arith.constant 7 : i32
        %swap3A_286 = arith.index_cast %swap3A_285 : i32 to index
        %swap3A_287 = arith.index_cast %mul3A_284 : i32 to index
        %swap3A_288 = tpu.vector_load %arg8[%swap3A_286, %swap3A_287] {strides = array<i32>} : memref<32x512xf32, #tpu.memory_space<vmem>>, vector<16xf32>,
        tpu.vector_store %arg8[%swap3A_286, %swap3A_287], %gather3A_217 {strides = array<i32>} : memref<32x512xf32, #tpu.memory_space<vmem>>, vector<16xf32>,
        %mul3A_289 = arith.constant 16 : i32
        %mul3A_290 = arith.muli %scan3A_206, %mul3A_289 : i32
        %swap3A_291 = arith.constant 8 : i32
        %swap3A_292 = arith.index_cast %swap3A_291 : i32 to index
        %swap3A_293 = arith.index_cast %mul3A_290 : i32 to index
        %swap3A_294 = tpu.vector_load %arg8[%swap3A_292, %swap3A_293] {strides = array<i32>} : memref<32x512xf32, #tpu.memory_space<vmem>>, vector<16xf32>,
        tpu.vector_store %arg8[%swap3A_292, %swap3A_293], %gather3A_218 {strides = array<i32>} : memref<32x512xf32, #tpu.memory_space<vmem>>, vector<16xf32>,
        %mul3A_295 = arith.constant 16 : i32
        %mul3A_296 = arith.muli %scan3A_206, %mul3A_295 : i32
        %swap3A_297 = arith.constant 9 : i32
        %swap3A_298 = arith.index_cast %swap3A_297 : i32 to index
        %swap3A_299 = arith.index_cast %mul3A_296 : i32 to index
        %swap3A_300 = tpu.vector_load %arg8[%swap3A_298, %swap3A_299] {strides = array<i32>} : memref<32x512xf32, #tpu.memory_space<vmem>>, vector<16xf32>,
        tpu.vector_store %arg8[%swap3A_298, %swap3A_299], %gather3A_219 {strides = array<i32>} : memref<32x512xf32, #tpu.memory_space<vmem>>, vector<16xf32>,
        %mul3A_301 = arith.constant 16 : i32
        %mul3A_302 = arith.muli %scan3A_206, %mul3A_301 : i32
        %swap3A_303 = arith.constant 10 : i32
        %swap3A_304 = arith.index_cast %swap3A_303 : i32 to index
        %swap3A_305 = arith.index_cast %mul3A_302 : i32 to index
        %swap3A_306 = tpu.vector_load %arg8[%swap3A_304, %swap3A_305] {strides = array<i32>} : memref<32x512xf32, #tpu.memory_space<vmem>>, vector<16xf32>,
        tpu.vector_store %arg8[%swap3A_304, %swap3A_305], %gather3A_220 {strides = array<i32>} : memref<32x512xf32, #tpu.memory_space<vmem>>, vector<16xf32>,
        %mul3A_307 = arith.constant 16 : i32
        %mul3A_308 = arith.muli %scan3A_206, %mul3A_307 : i32
        %swap3A_309 = arith.constant 11 : i32
        %swap3A_310 = arith.index_cast %swap3A_309 : i32 to index
        %swap3A_311 = arith.index_cast %mul3A_308 : i32 to index
        %swap3A_312 = tpu.vector_load %arg8[%swap3A_310, %swap3A_311] {strides = array<i32>} : memref<32x512xf32, #tpu.memory_space<vmem>>, vector<16xf32>,
        tpu.vector_store %arg8[%swap3A_310, %swap3A_311], %gather3A_221 {strides = array<i32>} : memref<32x512xf32, #tpu.memory_space<vmem>>, vector<16xf32>,
        %mul3A_313 = arith.constant 16 : i32
        %mul3A_314 = arith.muli %scan3A_206, %mul3A_313 : i32
        %swap3A_315 = arith.constant 12 : i32
        %swap3A_316 = arith.index_cast %swap3A_315 : i32 to index
        %swap3A_317 = arith.index_cast %mul3A_314 : i32 to index
        %swap3A_318 = tpu.vector_load %arg8[%swap3A_316, %swap3A_317] {strides = array<i32>} : memref<32x512xf32, #tpu.memory_space<vmem>>, vector<16xf32>,
        tpu.vector_store %arg8[%swap3A_316, %swap3A_317], %gather3A_222 {strides = array<i32>} : memref<32x512xf32, #tpu.memory_space<vmem>>, vector<16xf32>,
        %mul3A_319 = arith.constant 16 : i32
        %mul3A_320 = arith.muli %scan3A_206, %mul3A_319 : i32
        %swap3A_321 = arith.constant 13 : i32
        %swap3A_322 = arith.index_cast %swap3A_321 : i32 to index
        %swap3A_323 = arith.index_cast %mul3A_320 : i32 to index
        %swap3A_324 = tpu.vector_load %arg8[%swap3A_322, %swap3A_323] {strides = array<i32>} : memref<32x512xf32, #tpu.memory_space<vmem>>, vector<16xf32>,
        tpu.vector_store %arg8[%swap3A_322, %swap3A_323], %gather3A_223 {strides = array<i32>} : memref<32x512xf32, #tpu.memory_space<vmem>>, vector<16xf32>,
        %mul3A_325 = arith.constant 16 : i32
        %mul3A_326 = arith.muli %scan3A_206, %mul3A_325 : i32
        %swap3A_327 = arith.constant 14 : i32
        %swap3A_328 = arith.index_cast %swap3A_327 : i32 to index
        %swap3A_329 = arith.index_cast %mul3A_326 : i32 to index
        %swap3A_330 = tpu.vector_load %arg8[%swap3A_328, %swap3A_329] {strides = array<i32>} : memref<32x512xf32, #tpu.memory_space<vmem>>, vector<16xf32>,
        tpu.vector_store %arg8[%swap3A_328, %swap3A_329], %gather3A_224 {strides = array<i32>} : memref<32x512xf32, #tpu.memory_space<vmem>>, vector<16xf32>,
        %mul3A_331 = arith.constant 16 : i32
        %mul3A_332 = arith.muli %scan3A_206, %mul3A_331 : i32
        %swap3A_333 = arith.constant 15 : i32
        %swap3A_334 = arith.index_cast %swap3A_333 : i32 to index
        %swap3A_335 = arith.index_cast %mul3A_332 : i32 to index
        %swap3A_336 = tpu.vector_load %arg8[%swap3A_334, %swap3A_335] {strides = array<i32>} : memref<32x512xf32, #tpu.memory_space<vmem>>, vector<16xf32>,
        tpu.vector_store %arg8[%swap3A_334, %swap3A_335], %gather3A_225 {strides = array<i32>} : memref<32x512xf32, #tpu.memory_space<vmem>>, vector<16xf32>,
        %mul3A_337 = arith.constant 16 : i32
        %mul3A_338 = arith.muli %scan3A_206, %mul3A_337 : i32
        %swap3A_339 = arith.constant 16 : i32
        %swap3A_340 = arith.index_cast %swap3A_339 : i32 to index
        %swap3A_341 = arith.index_cast %mul3A_338 : i32 to index
        %swap3A_342 = tpu.vector_load %arg8[%swap3A_340, %swap3A_341] {strides = array<i32>} : memref<32x512xf32, #tpu.memory_space<vmem>>, vector<16xf32>,
        tpu.vector_store %arg8[%swap3A_340, %swap3A_341], %gather3A_226 {strides = array<i32>} : memref<32x512xf32, #tpu.memory_space<vmem>>, vector<16xf32>,
        %mul3A_343 = arith.constant 16 : i32
        %mul3A_344 = arith.muli %scan3A_206, %mul3A_343 : i32
        %swap3A_345 = arith.constant 17 : i32
        %swap3A_346 = arith.index_cast %swap3A_345 : i32 to index
        %swap3A_347 = arith.index_cast %mul3A_344 : i32 to index
        %swap3A_348 = tpu.vector_load %arg8[%swap3A_346, %swap3A_347] {strides = array<i32>} : memref<32x512xf32, #tpu.memory_space<vmem>>, vector<16xf32>,
        tpu.vector_store %arg8[%swap3A_346, %swap3A_347], %gather3A_227 {strides = array<i32>} : memref<32x512xf32, #tpu.memory_space<vmem>>, vector<16xf32>,
        %mul3A_349 = arith.constant 16 : i32
        %mul3A_350 = arith.muli %scan3A_206, %mul3A_349 : i32
        %swap3A_351 = arith.constant 18 : i32
        %swap3A_352 = arith.index_cast %swap3A_351 : i32 to index
        %swap3A_353 = arith.index_cast %mul3A_350 : i32 to index
        %swap3A_354 = tpu.vector_load %arg8[%swap3A_352, %swap3A_353] {strides = array<i32>} : memref<32x512xf32, #tpu.memory_space<vmem>>, vector<16xf32>,
        tpu.vector_store %arg8[%swap3A_352, %swap3A_353], %gather3A_228 {strides = array<i32>} : memref<32x512xf32, #tpu.memory_space<vmem>>, vector<16xf32>,
        %mul3A_355 = arith.constant 16 : i32
        %mul3A_356 = arith.muli %scan3A_206, %mul3A_355 : i32
        %swap3A_357 = arith.constant 19 : i32
        %swap3A_358 = arith.index_cast %swap3A_357 : i32 to index
        %swap3A_359 = arith.index_cast %mul3A_356 : i32 to index
        %swap3A_360 = tpu.vector_load %arg8[%swap3A_358, %swap3A_359] {strides = array<i32>} : memref<32x512xf32, #tpu.memory_space<vmem>>, vector<16xf32>,
        tpu.vector_store %arg8[%swap3A_358, %swap3A_359], %gather3A_229 {strides = array<i32>} : memref<32x512xf32, #tpu.memory_space<vmem>>, vector<16xf32>,
        %mul3A_361 = arith.constant 16 : i32
        %mul3A_362 = arith.muli %scan3A_206, %mul3A_361 : i32
        %swap3A_363 = arith.constant 20 : i32
        %swap3A_364 = arith.index_cast %swap3A_363 : i32 to index
        %swap3A_365 = arith.index_cast %mul3A_362 : i32 to index
        %swap3A_366 = tpu.vector_load %arg8[%swap3A_364, %swap3A_365] {strides = array<i32>} : memref<32x512xf32, #tpu.memory_space<vmem>>, vector<16xf32>,
        tpu.vector_store %arg8[%swap3A_364, %swap3A_365], %gather3A_230 {strides = array<i32>} : memref<32x512xf32, #tpu.memory_space<vmem>>, vector<16xf32>,
        %mul3A_367 = arith.constant 16 : i32
        %mul3A_368 = arith.muli %scan3A_206, %mul3A_367 : i32
        %swap3A_369 = arith.constant 21 : i32
        %swap3A_370 = arith.index_cast %swap3A_369 : i32 to index
        %swap3A_371 = arith.index_cast %mul3A_368 : i32 to index
        %swap3A_372 = tpu.vector_load %arg8[%swap3A_370, %swap3A_371] {strides = array<i32>} : memref<32x512xf32, #tpu.memory_space<vmem>>, vector<16xf32>,
        tpu.vector_store %arg8[%swap3A_370, %swap3A_371], %gather3A_231 {strides = array<i32>} : memref<32x512xf32, #tpu.memory_space<vmem>>, vector<16xf32>,
        %mul3A_373 = arith.constant 16 : i32
        %mul3A_374 = arith.muli %scan3A_206, %mul3A_373 : i32
        %swap3A_375 = arith.constant 22 : i32
        %swap3A_376 = arith.index_cast %swap3A_375 : i32 to index
        %swap3A_377 = arith.index_cast %mul3A_374 : i32 to index
        %swap3A_378 = tpu.vector_load %arg8[%swap3A_376, %swap3A_377] {strides = array<i32>} : memref<32x512xf32, #tpu.memory_space<vmem>>, vector<16xf32>,
        tpu.vector_store %arg8[%swap3A_376, %swap3A_377], %gather3A_232 {strides = array<i32>} : memref<32x512xf32, #tpu.memory_space<vmem>>, vector<16xf32>,
        %mul3A_379 = arith.constant 16 : i32
        %mul3A_380 = arith.muli %scan3A_206, %mul3A_379 : i32
        %swap3A_381 = arith.constant 23 : i32
        %swap3A_382 = arith.index_cast %swap3A_381 : i32 to index
        %swap3A_383 = arith.index_cast %mul3A_380 : i32 to index
        %swap3A_384 = tpu.vector_load %arg8[%swap3A_382, %swap3A_383] {strides = array<i32>} : memref<32x512xf32, #tpu.memory_space<vmem>>, vector<16xf32>,
        tpu.vector_store %arg8[%swap3A_382, %swap3A_383], %gather3A_233 {strides = array<i32>} : memref<32x512xf32, #tpu.memory_space<vmem>>, vector<16xf32>,
        %mul3A_385 = arith.constant 16 : i32
        %mul3A_386 = arith.muli %scan3A_206, %mul3A_385 : i32
        %swap3A_387 = arith.constant 24 : i32
        %swap3A_388 = arith.index_cast %swap3A_387 : i32 to index
        %swap3A_389 = arith.index_cast %mul3A_386 : i32 to index
        %swap3A_390 = tpu.vector_load %arg8[%swap3A_388, %swap3A_389] {strides = array<i32>} : memref<32x512xf32, #tpu.memory_space<vmem>>, vector<16xf32>,
        tpu.vector_store %arg8[%swap3A_388, %swap3A_389], %gather3A_234 {strides = array<i32>} : memref<32x512xf32, #tpu.memory_space<vmem>>, vector<16xf32>,
        %mul3A_391 = arith.constant 16 : i32
        %mul3A_392 = arith.muli %scan3A_206, %mul3A_391 : i32
        %swap3A_393 = arith.constant 25 : i32
        %swap3A_394 = arith.index_cast %swap3A_393 : i32 to index
        %swap3A_395 = arith.index_cast %mul3A_392 : i32 to index
        %swap3A_396 = tpu.vector_load %arg8[%swap3A_394, %swap3A_395] {strides = array<i32>} : memref<32x512xf32, #tpu.memory_space<vmem>>, vector<16xf32>,
        tpu.vector_store %arg8[%swap3A_394, %swap3A_395], %gather3A_235 {strides = array<i32>} : memref<32x512xf32, #tpu.memory_space<vmem>>, vector<16xf32>,
        %mul3A_397 = arith.constant 16 : i32
        %mul3A_398 = arith.muli %scan3A_206, %mul3A_397 : i32
        %swap3A_399 = arith.constant 26 : i32
        %swap3A_400 = arith.index_cast %swap3A_399 : i32 to index
        %swap3A_401 = arith.index_cast %mul3A_398 : i32 to index
        %swap3A_402 = tpu.vector_load %arg8[%swap3A_400, %swap3A_401] {strides = array<i32>} : memref<32x512xf32, #tpu.memory_space<vmem>>, vector<16xf32>,
        tpu.vector_store %arg8[%swap3A_400, %swap3A_401], %gather3A_236 {strides = array<i32>} : memref<32x512xf32, #tpu.memory_space<vmem>>, vector<16xf32>,
        %mul3A_403 = arith.constant 16 : i32
        %mul3A_404 = arith.muli %scan3A_206, %mul3A_403 : i32
        %swap3A_405 = arith.constant 27 : i32
        %swap3A_406 = arith.index_cast %swap3A_405 : i32 to index
        %swap3A_407 = arith.index_cast %mul3A_404 : i32 to index
        %swap3A_408 = tpu.vector_load %arg8[%swap3A_406, %swap3A_407] {strides = array<i32>} : memref<32x512xf32, #tpu.memory_space<vmem>>, vector<16xf32>,
        tpu.vector_store %arg8[%swap3A_406, %swap3A_407], %gather3A_237 {strides = array<i32>} : memref<32x512xf32, #tpu.memory_space<vmem>>, vector<16xf32>,
        %mul3A_409 = arith.constant 16 : i32
        %mul3A_410 = arith.muli %scan3A_206, %mul3A_409 : i32
        %swap3A_411 = arith.constant 28 : i32
        %swap3A_412 = arith.index_cast %swap3A_411 : i32 to index
        %swap3A_413 = arith.index_cast %mul3A_410 : i32 to index
        %swap3A_414 = tpu.vector_load %arg8[%swap3A_412, %swap3A_413] {strides = array<i32>} : memref<32x512xf32, #tpu.memory_space<vmem>>, vector<16xf32>,
        tpu.vector_store %arg8[%swap3A_412, %swap3A_413], %gather3A_238 {strides = array<i32>} : memref<32x512xf32, #tpu.memory_space<vmem>>, vector<16xf32>,
        %mul3A_415 = arith.constant 16 : i32
        %mul3A_416 = arith.muli %scan3A_206, %mul3A_415 : i32
        %swap3A_417 = arith.constant 29 : i32
        %swap3A_418 = arith.index_cast %swap3A_417 : i32 to index
        %swap3A_419 = arith.index_cast %mul3A_416 : i32 to index
        %swap3A_420 = tpu.vector_load %arg8[%swap3A_418, %swap3A_419] {strides = array<i32>} : memref<32x512xf32, #tpu.memory_space<vmem>>, vector<16xf32>,
        tpu.vector_store %arg8[%swap3A_418, %swap3A_419], %gather3A_239 {strides = array<i32>} : memref<32x512xf32, #tpu.memory_space<vmem>>, vector<16xf32>,
        %mul3A_421 = arith.constant 16 : i32
        %mul3A_422 = arith.muli %scan3A_206, %mul3A_421 : i32
        %swap3A_423 = arith.constant 30 : i32
        %swap3A_424 = arith.index_cast %swap3A_423 : i32 to index
        %swap3A_425 = arith.index_cast %mul3A_422 : i32 to index
        %swap3A_426 = tpu.vector_load %arg8[%swap3A_424, %swap3A_425] {strides = array<i32>} : memref<32x512xf32, #tpu.memory_space<vmem>>, vector<16xf32>,
        tpu.vector_store %arg8[%swap3A_424, %swap3A_425], %gather3A_240 {strides = array<i32>} : memref<32x512xf32, #tpu.memory_space<vmem>>, vector<16xf32>,
        %mul3A_427 = arith.constant 16 : i32
        %mul3A_428 = arith.muli %scan3A_206, %mul3A_427 : i32
        %swap3A_429 = arith.constant 31 : i32
        %swap3A_430 = arith.index_cast %swap3A_429 : i32 to index
        %swap3A_431 = arith.index_cast %mul3A_428 : i32 to index
        %swap3A_432 = tpu.vector_load %arg8[%swap3A_430, %swap3A_431] {strides = array<i32>} : memref<32x512xf32, #tpu.memory_space<vmem>>, vector<16xf32>,
        tpu.vector_store %arg8[%swap3A_430, %swap3A_431], %gather3A_241 {strides = array<i32>} : memref<32x512xf32, #tpu.memory_space<vmem>>, vector<16xf32>,
        %scan3A_433 = arith.constant 0 : i32
        scf.yield %scan3A_433 : i32
      }
      %scan3A_154 = arith.constant 32 : i32
      %add3A_155 = arith.constant 2 : i32
      %add3A_156 = arith.addi %mul3A_140, %add3A_155 : i32
      %lt3A_157 = arith.cmpi slt, %add3A_156, %add3A_4 : i32
      %convert_element_type3A_158 = arith.extui %lt3A_157 : i1 to i32
      %cond3A_159 = arith.constant 0 : i32
      %cond3A_160 = arith.cmpi ne, %convert_element_type3A_158, %cond3A_159 : i32
      scf.if %cond3A_160 {
        %add3A_206 = arith.constant 2 : i32
        %add3A_207 = arith.addi %mul3A_140, %add3A_206 : i32
        %mul3A_208 = arith.constant 32 : i32
        %mul3A_209 = arith.muli %add3A_207, %mul3A_208 : i32
        %add3A_210 = arith.addi %add3A, %mul3A_209 : i32
        %mul3A_211 = arith.constant 512 : i32
        %mul3A_212 = arith.muli %add3A_210, %mul3A_211 : i32
        %dma_start3A_213 = tpu.memref_slice %arg2[%mul3A_212] : memref<1600000xi32, #tpu.memory_space<hbm>> -> memref<512xi32, #tpu.memory_space<hbm>>
        %dma_start3A_214 = tpu.memref_slice %arg2[%mul3A_212] : memref<1600000xi32, #tpu.memory_space<hbm>> -> memref<512xi32, #tpu.memory_space<hbm>>
        tpu.enqueue_dma source(%dma_start3A_214 : memref<512xi32, #tpu.memory_space<hbm>>) target(%arg6 : memref<512xi32, #tpu.memory_space<vmem>>) target_semaphore(%arg10 : memref<!tpu.dma_semaphore, #tpu.memory_space<semaphore_mem>>)
      } else {
      }
      %mul3A_161 = arith.constant 32 : i32
      %mul3A_162 = arith.muli %mul3A_140, %mul3A_161 : i32
      %add3A_163 = arith.addi %add3A, %mul3A_162 : i32
      %mul3A_164 = arith.constant 512 : i32
      %mul3A_165 = arith.muli %add3A_163, %mul3A_164 : i32
      %dma_start3A_166 = arith.constant 0 : i32
      %dma_start3A_167 = tpu.memref_slice %arg4[%dma_start3A_166, %mul3A_165] : memref<32x1600000xf32, #tpu.memory_space<hbm>> -> memref<32x512xf32, #tpu.memory_space<hbm>>
      %dma_start3A_168 = arith.constant 0 : i32
      %dma_start3A_169 = tpu.memref_slice %arg4[%dma_start3A_168, %mul3A_165] : memref<32x1600000xf32, #tpu.memory_space<hbm>> -> memref<32x512xf32, #tpu.memory_space<hbm>>
      tpu.enqueue_dma source(%arg8 : memref<32x512xf32, #tpu.memory_space<vmem>>) target(%dma_start3A_169 : memref<32x512xf32, #tpu.memory_space<hbm>>) target_semaphore(%arg12 : memref<!tpu.dma_semaphore, #tpu.memory_space<semaphore_mem>>)
      %mul3A_170 = arith.constant 2 : i32
      %mul3A_171 = arith.muli %mul3A_170, %while3A_137 : i32
      %add3A_172 = arith.constant 1 : i32
      %add3A_173 = arith.addi %mul3A_171, %add3A_172 : i32
      %dma_wait3A_174 = arith.constant 0 : i32
      %dma_wait3A_175 = tpu.memref_slice %arg2[%dma_wait3A_174] : memref<1600000xi32, #tpu.memory_space<hbm>> -> memref<512xi32, #tpu.memory_space<hbm>>
      %dma_wait3A_176 = arith.constant 0 : i32
      %dma_wait3A_177 = tpu.memref_slice %arg2[%dma_wait3A_176] : memref<1600000xi32, #tpu.memory_space<hbm>> -> memref<512xi32, #tpu.memory_space<hbm>>
      tpu.wait_dma2 semaphore(%arg11 : memref<!tpu.dma_semaphore, #tpu.memory_space<semaphore_mem>>) src(%dma_wait3A_177 : memref<512xi32, #tpu.memory_space<hbm>>) dst(%arg7 : memref<512xi32, #tpu.memory_space<vmem>>)
      %gt3A_178 = arith.constant 0 : i32
      %gt3A_179 = arith.cmpi sgt, %while3A_137, %gt3A_178 : i32
      %convert_element_type3A_180 = arith.extui %gt3A_179 : i1 to i32
      %cond3A_181 = arith.constant 0 : i32
      %cond3A_182 = arith.cmpi ne, %convert_element_type3A_180, %cond3A_181 : i32
      scf.if %cond3A_182 {
        %dma_wait3A_206 = arith.constant 0 : i32
        %dma_wait3A_207 = arith.constant 0 : i32
        %dma_wait3A_208 = tpu.memref_slice %arg4[%dma_wait3A_206, %dma_wait3A_207] : memref<32x1600000xf32, #tpu.memory_space<hbm>> -> memref<32x512xf32, #tpu.memory_space<hbm>>
        %dma_wait3A_209 = arith.constant 0 : i32
        %dma_wait3A_210 = arith.constant 0 : i32
        %dma_wait3A_211 = tpu.memref_slice %arg4[%dma_wait3A_209, %dma_wait3A_210] : memref<32x1600000xf32, #tpu.memory_space<hbm>> -> memref<32x512xf32, #tpu.memory_space<hbm>>
        tpu.wait_dma2 semaphore(%arg13 : memref<!tpu.dma_semaphore, #tpu.memory_space<semaphore_mem>>) src(%arg9 : memref<32x512xf32, #tpu.memory_space<vmem>>) dst(%dma_wait3A_211 : memref<32x512xf32, #tpu.memory_space<hbm>>)
      } else {
      }
      %scan3A_183 = arith.constant 0 : i32
      %scan3A_184 = arith.constant 0 : i32
      %scan3A_185 = arith.constant 32 : i32
      %scan3A_186 = arith.addi %scan3A_184, %scan3A_185 : i32
      %scan3A_187 = arith.constant 1 : i32
      %scan3A_188 = scf.for %scan3A_206 = %scan3A_184 to %scan3A_186 step %scan3A_187 iter_args(%scan3A_207 = %scan3A_183) -> (i32)  : i32 {
        %mul3A_208 = arith.constant 16 : i32
        %mul3A_209 = arith.muli %scan3A_206, %mul3A_208 : i32
        %get3A = arith.index_cast %mul3A_209 : i32 to index
        %get3A_210 = tpu.vector_load %arg7[%get3A] {strides = array<i32>} : memref<512xi32, #tpu.memory_space<vmem>>, vector<16xi32>,
        %gather3A = tpu.vector_load_idx %arg5[%broadcast_in_dim3A_16, %get3A_210] : memref<32x1000xf32, #tpu.memory_space<vmem>>[vector<16xi32>, vector<16xi32>], vector<16xf32>,
        %gather3A_211 = tpu.vector_load_idx %arg5[%broadcast_in_dim3A_18, %get3A_210] : memref<32x1000xf32, #tpu.memory_space<vmem>>[vector<16xi32>, vector<16xi32>], vector<16xf32>,
        %gather3A_212 = tpu.vector_load_idx %arg5[%broadcast_in_dim3A_20, %get3A_210] : memref<32x1000xf32, #tpu.memory_space<vmem>>[vector<16xi32>, vector<16xi32>], vector<16xf32>,
        %gather3A_213 = tpu.vector_load_idx %arg5[%broadcast_in_dim3A_22, %get3A_210] : memref<32x1000xf32, #tpu.memory_space<vmem>>[vector<16xi32>, vector<16xi32>], vector<16xf32>,
        %gather3A_214 = tpu.vector_load_idx %arg5[%broadcast_in_dim3A_24, %get3A_210] : memref<32x1000xf32, #tpu.memory_space<vmem>>[vector<16xi32>, vector<16xi32>], vector<16xf32>,
        %gather3A_215 = tpu.vector_load_idx %arg5[%broadcast_in_dim3A_26, %get3A_210] : memref<32x1000xf32, #tpu.memory_space<vmem>>[vector<16xi32>, vector<16xi32>], vector<16xf32>,
        %gather3A_216 = tpu.vector_load_idx %arg5[%broadcast_in_dim3A_28, %get3A_210] : memref<32x1000xf32, #tpu.memory_space<vmem>>[vector<16xi32>, vector<16xi32>], vector<16xf32>,
        %gather3A_217 = tpu.vector_load_idx %arg5[%broadcast_in_dim3A_30, %get3A_210] : memref<32x1000xf32, #tpu.memory_space<vmem>>[vector<16xi32>, vector<16xi32>], vector<16xf32>,
        %gather3A_218 = tpu.vector_load_idx %arg5[%broadcast_in_dim3A_32, %get3A_210] : memref<32x1000xf32, #tpu.memory_space<vmem>>[vector<16xi32>, vector<16xi32>], vector<16xf32>,
        %gather3A_219 = tpu.vector_load_idx %arg5[%broadcast_in_dim3A_34, %get3A_210] : memref<32x1000xf32, #tpu.memory_space<vmem>>[vector<16xi32>, vector<16xi32>], vector<16xf32>,
        %gather3A_220 = tpu.vector_load_idx %arg5[%broadcast_in_dim3A_36, %get3A_210] : memref<32x1000xf32, #tpu.memory_space<vmem>>[vector<16xi32>, vector<16xi32>], vector<16xf32>,
        %gather3A_221 = tpu.vector_load_idx %arg5[%broadcast_in_dim3A_38, %get3A_210] : memref<32x1000xf32, #tpu.memory_space<vmem>>[vector<16xi32>, vector<16xi32>], vector<16xf32>,
        %gather3A_222 = tpu.vector_load_idx %arg5[%broadcast_in_dim3A_40, %get3A_210] : memref<32x1000xf32, #tpu.memory_space<vmem>>[vector<16xi32>, vector<16xi32>], vector<16xf32>,
        %gather3A_223 = tpu.vector_load_idx %arg5[%broadcast_in_dim3A_42, %get3A_210] : memref<32x1000xf32, #tpu.memory_space<vmem>>[vector<16xi32>, vector<16xi32>], vector<16xf32>,
        %gather3A_224 = tpu.vector_load_idx %arg5[%broadcast_in_dim3A_44, %get3A_210] : memref<32x1000xf32, #tpu.memory_space<vmem>>[vector<16xi32>, vector<16xi32>], vector<16xf32>,
        %gather3A_225 = tpu.vector_load_idx %arg5[%broadcast_in_dim3A_46, %get3A_210] : memref<32x1000xf32, #tpu.memory_space<vmem>>[vector<16xi32>, vector<16xi32>], vector<16xf32>,
        %gather3A_226 = tpu.vector_load_idx %arg5[%broadcast_in_dim3A_48, %get3A_210] : memref<32x1000xf32, #tpu.memory_space<vmem>>[vector<16xi32>, vector<16xi32>], vector<16xf32>,
        %gather3A_227 = tpu.vector_load_idx %arg5[%broadcast_in_dim3A_50, %get3A_210] : memref<32x1000xf32, #tpu.memory_space<vmem>>[vector<16xi32>, vector<16xi32>], vector<16xf32>,
        %gather3A_228 = tpu.vector_load_idx %arg5[%broadcast_in_dim3A_52, %get3A_210] : memref<32x1000xf32, #tpu.memory_space<vmem>>[vector<16xi32>, vector<16xi32>], vector<16xf32>,
        %gather3A_229 = tpu.vector_load_idx %arg5[%broadcast_in_dim3A_54, %get3A_210] : memref<32x1000xf32, #tpu.memory_space<vmem>>[vector<16xi32>, vector<16xi32>], vector<16xf32>,
        %gather3A_230 = tpu.vector_load_idx %arg5[%broadcast_in_dim3A_56, %get3A_210] : memref<32x1000xf32, #tpu.memory_space<vmem>>[vector<16xi32>, vector<16xi32>], vector<16xf32>,
        %gather3A_231 = tpu.vector_load_idx %arg5[%broadcast_in_dim3A_58, %get3A_210] : memref<32x1000xf32, #tpu.memory_space<vmem>>[vector<16xi32>, vector<16xi32>], vector<16xf32>,
        %gather3A_232 = tpu.vector_load_idx %arg5[%broadcast_in_dim3A_60, %get3A_210] : memref<32x1000xf32, #tpu.memory_space<vmem>>[vector<16xi32>, vector<16xi32>], vector<16xf32>,
        %gather3A_233 = tpu.vector_load_idx %arg5[%broadcast_in_dim3A_62, %get3A_210] : memref<32x1000xf32, #tpu.memory_space<vmem>>[vector<16xi32>, vector<16xi32>], vector<16xf32>,
        %gather3A_234 = tpu.vector_load_idx %arg5[%broadcast_in_dim3A_64, %get3A_210] : memref<32x1000xf32, #tpu.memory_space<vmem>>[vector<16xi32>, vector<16xi32>], vector<16xf32>,
        %gather3A_235 = tpu.vector_load_idx %arg5[%broadcast_in_dim3A_66, %get3A_210] : memref<32x1000xf32, #tpu.memory_space<vmem>>[vector<16xi32>, vector<16xi32>], vector<16xf32>,
        %gather3A_236 = tpu.vector_load_idx %arg5[%broadcast_in_dim3A_68, %get3A_210] : memref<32x1000xf32, #tpu.memory_space<vmem>>[vector<16xi32>, vector<16xi32>], vector<16xf32>,
        %gather3A_237 = tpu.vector_load_idx %arg5[%broadcast_in_dim3A_70, %get3A_210] : memref<32x1000xf32, #tpu.memory_space<vmem>>[vector<16xi32>, vector<16xi32>], vector<16xf32>,
        %gather3A_238 = tpu.vector_load_idx %arg5[%broadcast_in_dim3A_72, %get3A_210] : memref<32x1000xf32, #tpu.memory_space<vmem>>[vector<16xi32>, vector<16xi32>], vector<16xf32>,
        %gather3A_239 = tpu.vector_load_idx %arg5[%broadcast_in_dim3A_74, %get3A_210] : memref<32x1000xf32, #tpu.memory_space<vmem>>[vector<16xi32>, vector<16xi32>], vector<16xf32>,
        %gather3A_240 = tpu.vector_load_idx %arg5[%broadcast_in_dim3A_76, %get3A_210] : memref<32x1000xf32, #tpu.memory_space<vmem>>[vector<16xi32>, vector<16xi32>], vector<16xf32>,
        %gather3A_241 = tpu.vector_load_idx %arg5[%broadcast_in_dim3A_78, %get3A_210] : memref<32x1000xf32, #tpu.memory_space<vmem>>[vector<16xi32>, vector<16xi32>], vector<16xf32>,
        %mul3A_242 = arith.constant 16 : i32
        %mul3A_243 = arith.muli %scan3A_206, %mul3A_242 : i32
        %swap3A = arith.constant 0 : i32
        %swap3A_244 = arith.index_cast %swap3A : i32 to index
        %swap3A_245 = arith.index_cast %mul3A_243 : i32 to index
        %swap3A_246 = tpu.vector_load %arg9[%swap3A_244, %swap3A_245] {strides = array<i32>} : memref<32x512xf32, #tpu.memory_space<vmem>>, vector<16xf32>,
        tpu.vector_store %arg9[%swap3A_244, %swap3A_245], %gather3A {strides = array<i32>} : memref<32x512xf32, #tpu.memory_space<vmem>>, vector<16xf32>,
        %mul3A_247 = arith.constant 16 : i32
        %mul3A_248 = arith.muli %scan3A_206, %mul3A_247 : i32
        %swap3A_249 = arith.constant 1 : i32
        %swap3A_250 = arith.index_cast %swap3A_249 : i32 to index
        %swap3A_251 = arith.index_cast %mul3A_248 : i32 to index
        %swap3A_252 = tpu.vector_load %arg9[%swap3A_250, %swap3A_251] {strides = array<i32>} : memref<32x512xf32, #tpu.memory_space<vmem>>, vector<16xf32>,
        tpu.vector_store %arg9[%swap3A_250, %swap3A_251], %gather3A_211 {strides = array<i32>} : memref<32x512xf32, #tpu.memory_space<vmem>>, vector<16xf32>,
        %mul3A_253 = arith.constant 16 : i32
        %mul3A_254 = arith.muli %scan3A_206, %mul3A_253 : i32
        %swap3A_255 = arith.constant 2 : i32
        %swap3A_256 = arith.index_cast %swap3A_255 : i32 to index
        %swap3A_257 = arith.index_cast %mul3A_254 : i32 to index
        %swap3A_258 = tpu.vector_load %arg9[%swap3A_256, %swap3A_257] {strides = array<i32>} : memref<32x512xf32, #tpu.memory_space<vmem>>, vector<16xf32>,
        tpu.vector_store %arg9[%swap3A_256, %swap3A_257], %gather3A_212 {strides = array<i32>} : memref<32x512xf32, #tpu.memory_space<vmem>>, vector<16xf32>,
        %mul3A_259 = arith.constant 16 : i32
        %mul3A_260 = arith.muli %scan3A_206, %mul3A_259 : i32
        %swap3A_261 = arith.constant 3 : i32
        %swap3A_262 = arith.index_cast %swap3A_261 : i32 to index
        %swap3A_263 = arith.index_cast %mul3A_260 : i32 to index
        %swap3A_264 = tpu.vector_load %arg9[%swap3A_262, %swap3A_263] {strides = array<i32>} : memref<32x512xf32, #tpu.memory_space<vmem>>, vector<16xf32>,
        tpu.vector_store %arg9[%swap3A_262, %swap3A_263], %gather3A_213 {strides = array<i32>} : memref<32x512xf32, #tpu.memory_space<vmem>>, vector<16xf32>,
        %mul3A_265 = arith.constant 16 : i32
        %mul3A_266 = arith.muli %scan3A_206, %mul3A_265 : i32
        %swap3A_267 = arith.constant 4 : i32
        %swap3A_268 = arith.index_cast %swap3A_267 : i32 to index
        %swap3A_269 = arith.index_cast %mul3A_266 : i32 to index
        %swap3A_270 = tpu.vector_load %arg9[%swap3A_268, %swap3A_269] {strides = array<i32>} : memref<32x512xf32, #tpu.memory_space<vmem>>, vector<16xf32>,
        tpu.vector_store %arg9[%swap3A_268, %swap3A_269], %gather3A_214 {strides = array<i32>} : memref<32x512xf32, #tpu.memory_space<vmem>>, vector<16xf32>,
        %mul3A_271 = arith.constant 16 : i32
        %mul3A_272 = arith.muli %scan3A_206, %mul3A_271 : i32
        %swap3A_273 = arith.constant 5 : i32
        %swap3A_274 = arith.index_cast %swap3A_273 : i32 to index
        %swap3A_275 = arith.index_cast %mul3A_272 : i32 to index
        %swap3A_276 = tpu.vector_load %arg9[%swap3A_274, %swap3A_275] {strides = array<i32>} : memref<32x512xf32, #tpu.memory_space<vmem>>, vector<16xf32>,
        tpu.vector_store %arg9[%swap3A_274, %swap3A_275], %gather3A_215 {strides = array<i32>} : memref<32x512xf32, #tpu.memory_space<vmem>>, vector<16xf32>,
        %mul3A_277 = arith.constant 16 : i32
        %mul3A_278 = arith.muli %scan3A_206, %mul3A_277 : i32
        %swap3A_279 = arith.constant 6 : i32
        %swap3A_280 = arith.index_cast %swap3A_279 : i32 to index
        %swap3A_281 = arith.index_cast %mul3A_278 : i32 to index
        %swap3A_282 = tpu.vector_load %arg9[%swap3A_280, %swap3A_281] {strides = array<i32>} : memref<32x512xf32, #tpu.memory_space<vmem>>, vector<16xf32>,
        tpu.vector_store %arg9[%swap3A_280, %swap3A_281], %gather3A_216 {strides = array<i32>} : memref<32x512xf32, #tpu.memory_space<vmem>>, vector<16xf32>,
        %mul3A_283 = arith.constant 16 : i32
        %mul3A_284 = arith.muli %scan3A_206, %mul3A_283 : i32
        %swap3A_285 = arith.constant 7 : i32
        %swap3A_286 = arith.index_cast %swap3A_285 : i32 to index
        %swap3A_287 = arith.index_cast %mul3A_284 : i32 to index
        %swap3A_288 = tpu.vector_load %arg9[%swap3A_286, %swap3A_287] {strides = array<i32>} : memref<32x512xf32, #tpu.memory_space<vmem>>, vector<16xf32>,
        tpu.vector_store %arg9[%swap3A_286, %swap3A_287], %gather3A_217 {strides = array<i32>} : memref<32x512xf32, #tpu.memory_space<vmem>>, vector<16xf32>,
        %mul3A_289 = arith.constant 16 : i32
        %mul3A_290 = arith.muli %scan3A_206, %mul3A_289 : i32
        %swap3A_291 = arith.constant 8 : i32
        %swap3A_292 = arith.index_cast %swap3A_291 : i32 to index
        %swap3A_293 = arith.index_cast %mul3A_290 : i32 to index
        %swap3A_294 = tpu.vector_load %arg9[%swap3A_292, %swap3A_293] {strides = array<i32>} : memref<32x512xf32, #tpu.memory_space<vmem>>, vector<16xf32>,
        tpu.vector_store %arg9[%swap3A_292, %swap3A_293], %gather3A_218 {strides = array<i32>} : memref<32x512xf32, #tpu.memory_space<vmem>>, vector<16xf32>,
        %mul3A_295 = arith.constant 16 : i32
        %mul3A_296 = arith.muli %scan3A_206, %mul3A_295 : i32
        %swap3A_297 = arith.constant 9 : i32
        %swap3A_298 = arith.index_cast %swap3A_297 : i32 to index
        %swap3A_299 = arith.index_cast %mul3A_296 : i32 to index
        %swap3A_300 = tpu.vector_load %arg9[%swap3A_298, %swap3A_299] {strides = array<i32>} : memref<32x512xf32, #tpu.memory_space<vmem>>, vector<16xf32>,
        tpu.vector_store %arg9[%swap3A_298, %swap3A_299], %gather3A_219 {strides = array<i32>} : memref<32x512xf32, #tpu.memory_space<vmem>>, vector<16xf32>,
        %mul3A_301 = arith.constant 16 : i32
        %mul3A_302 = arith.muli %scan3A_206, %mul3A_301 : i32
        %swap3A_303 = arith.constant 10 : i32
        %swap3A_304 = arith.index_cast %swap3A_303 : i32 to index
        %swap3A_305 = arith.index_cast %mul3A_302 : i32 to index
        %swap3A_306 = tpu.vector_load %arg9[%swap3A_304, %swap3A_305] {strides = array<i32>} : memref<32x512xf32, #tpu.memory_space<vmem>>, vector<16xf32>,
        tpu.vector_store %arg9[%swap3A_304, %swap3A_305], %gather3A_220 {strides = array<i32>} : memref<32x512xf32, #tpu.memory_space<vmem>>, vector<16xf32>,
        %mul3A_307 = arith.constant 16 : i32
        %mul3A_308 = arith.muli %scan3A_206, %mul3A_307 : i32
        %swap3A_309 = arith.constant 11 : i32
        %swap3A_310 = arith.index_cast %swap3A_309 : i32 to index
        %swap3A_311 = arith.index_cast %mul3A_308 : i32 to index
        %swap3A_312 = tpu.vector_load %arg9[%swap3A_310, %swap3A_311] {strides = array<i32>} : memref<32x512xf32, #tpu.memory_space<vmem>>, vector<16xf32>,
        tpu.vector_store %arg9[%swap3A_310, %swap3A_311], %gather3A_221 {strides = array<i32>} : memref<32x512xf32, #tpu.memory_space<vmem>>, vector<16xf32>,
        %mul3A_313 = arith.constant 16 : i32
        %mul3A_314 = arith.muli %scan3A_206, %mul3A_313 : i32
        %swap3A_315 = arith.constant 12 : i32
        %swap3A_316 = arith.index_cast %swap3A_315 : i32 to index
        %swap3A_317 = arith.index_cast %mul3A_314 : i32 to index
        %swap3A_318 = tpu.vector_load %arg9[%swap3A_316, %swap3A_317] {strides = array<i32>} : memref<32x512xf32, #tpu.memory_space<vmem>>, vector<16xf32>,
        tpu.vector_store %arg9[%swap3A_316, %swap3A_317], %gather3A_222 {strides = array<i32>} : memref<32x512xf32, #tpu.memory_space<vmem>>, vector<16xf32>,
        %mul3A_319 = arith.constant 16 : i32
        %mul3A_320 = arith.muli %scan3A_206, %mul3A_319 : i32
        %swap3A_321 = arith.constant 13 : i32
        %swap3A_322 = arith.index_cast %swap3A_321 : i32 to index
        %swap3A_323 = arith.index_cast %mul3A_320 : i32 to index
        %swap3A_324 = tpu.vector_load %arg9[%swap3A_322, %swap3A_323] {strides = array<i32>} : memref<32x512xf32, #tpu.memory_space<vmem>>, vector<16xf32>,
        tpu.vector_store %arg9[%swap3A_322, %swap3A_323], %gather3A_223 {strides = array<i32>} : memref<32x512xf32, #tpu.memory_space<vmem>>, vector<16xf32>,
        %mul3A_325 = arith.constant 16 : i32
        %mul3A_326 = arith.muli %scan3A_206, %mul3A_325 : i32
        %swap3A_327 = arith.constant 14 : i32
        %swap3A_328 = arith.index_cast %swap3A_327 : i32 to index
        %swap3A_329 = arith.index_cast %mul3A_326 : i32 to index
        %swap3A_330 = tpu.vector_load %arg9[%swap3A_328, %swap3A_329] {strides = array<i32>} : memref<32x512xf32, #tpu.memory_space<vmem>>, vector<16xf32>,
        tpu.vector_store %arg9[%swap3A_328, %swap3A_329], %gather3A_224 {strides = array<i32>} : memref<32x512xf32, #tpu.memory_space<vmem>>, vector<16xf32>,
        %mul3A_331 = arith.constant 16 : i32
        %mul3A_332 = arith.muli %scan3A_206, %mul3A_331 : i32
        %swap3A_333 = arith.constant 15 : i32
        %swap3A_334 = arith.index_cast %swap3A_333 : i32 to index
        %swap3A_335 = arith.index_cast %mul3A_332 : i32 to index
        %swap3A_336 = tpu.vector_load %arg9[%swap3A_334, %swap3A_335] {strides = array<i32>} : memref<32x512xf32, #tpu.memory_space<vmem>>, vector<16xf32>,
        tpu.vector_store %arg9[%swap3A_334, %swap3A_335], %gather3A_225 {strides = array<i32>} : memref<32x512xf32, #tpu.memory_space<vmem>>, vector<16xf32>,
        %mul3A_337 = arith.constant 16 : i32
        %mul3A_338 = arith.muli %scan3A_206, %mul3A_337 : i32
        %swap3A_339 = arith.constant 16 : i32
        %swap3A_340 = arith.index_cast %swap3A_339 : i32 to index
        %swap3A_341 = arith.index_cast %mul3A_338 : i32 to index
        %swap3A_342 = tpu.vector_load %arg9[%swap3A_340, %swap3A_341] {strides = array<i32>} : memref<32x512xf32, #tpu.memory_space<vmem>>, vector<16xf32>,
        tpu.vector_store %arg9[%swap3A_340, %swap3A_341], %gather3A_226 {strides = array<i32>} : memref<32x512xf32, #tpu.memory_space<vmem>>, vector<16xf32>,
        %mul3A_343 = arith.constant 16 : i32
        %mul3A_344 = arith.muli %scan3A_206, %mul3A_343 : i32
        %swap3A_345 = arith.constant 17 : i32
        %swap3A_346 = arith.index_cast %swap3A_345 : i32 to index
        %swap3A_347 = arith.index_cast %mul3A_344 : i32 to index
        %swap3A_348 = tpu.vector_load %arg9[%swap3A_346, %swap3A_347] {strides = array<i32>} : memref<32x512xf32, #tpu.memory_space<vmem>>, vector<16xf32>,
        tpu.vector_store %arg9[%swap3A_346, %swap3A_347], %gather3A_227 {strides = array<i32>} : memref<32x512xf32, #tpu.memory_space<vmem>>, vector<16xf32>,
        %mul3A_349 = arith.constant 16 : i32
        %mul3A_350 = arith.muli %scan3A_206, %mul3A_349 : i32
        %swap3A_351 = arith.constant 18 : i32
        %swap3A_352 = arith.index_cast %swap3A_351 : i32 to index
        %swap3A_353 = arith.index_cast %mul3A_350 : i32 to index
        %swap3A_354 = tpu.vector_load %arg9[%swap3A_352, %swap3A_353] {strides = array<i32>} : memref<32x512xf32, #tpu.memory_space<vmem>>, vector<16xf32>,
        tpu.vector_store %arg9[%swap3A_352, %swap3A_353], %gather3A_228 {strides = array<i32>} : memref<32x512xf32, #tpu.memory_space<vmem>>, vector<16xf32>,
        %mul3A_355 = arith.constant 16 : i32
        %mul3A_356 = arith.muli %scan3A_206, %mul3A_355 : i32
        %swap3A_357 = arith.constant 19 : i32
        %swap3A_358 = arith.index_cast %swap3A_357 : i32 to index
        %swap3A_359 = arith.index_cast %mul3A_356 : i32 to index
        %swap3A_360 = tpu.vector_load %arg9[%swap3A_358, %swap3A_359] {strides = array<i32>} : memref<32x512xf32, #tpu.memory_space<vmem>>, vector<16xf32>,
        tpu.vector_store %arg9[%swap3A_358, %swap3A_359], %gather3A_229 {strides = array<i32>} : memref<32x512xf32, #tpu.memory_space<vmem>>, vector<16xf32>,
        %mul3A_361 = arith.constant 16 : i32
        %mul3A_362 = arith.muli %scan3A_206, %mul3A_361 : i32
        %swap3A_363 = arith.constant 20 : i32
        %swap3A_364 = arith.index_cast %swap3A_363 : i32 to index
        %swap3A_365 = arith.index_cast %mul3A_362 : i32 to index
        %swap3A_366 = tpu.vector_load %arg9[%swap3A_364, %swap3A_365] {strides = array<i32>} : memref<32x512xf32, #tpu.memory_space<vmem>>, vector<16xf32>,
        tpu.vector_store %arg9[%swap3A_364, %swap3A_365], %gather3A_230 {strides = array<i32>} : memref<32x512xf32, #tpu.memory_space<vmem>>, vector<16xf32>,
        %mul3A_367 = arith.constant 16 : i32
        %mul3A_368 = arith.muli %scan3A_206, %mul3A_367 : i32
        %swap3A_369 = arith.constant 21 : i32
        %swap3A_370 = arith.index_cast %swap3A_369 : i32 to index
        %swap3A_371 = arith.index_cast %mul3A_368 : i32 to index
        %swap3A_372 = tpu.vector_load %arg9[%swap3A_370, %swap3A_371] {strides = array<i32>} : memref<32x512xf32, #tpu.memory_space<vmem>>, vector<16xf32>,
        tpu.vector_store %arg9[%swap3A_370, %swap3A_371], %gather3A_231 {strides = array<i32>} : memref<32x512xf32, #tpu.memory_space<vmem>>, vector<16xf32>,
        %mul3A_373 = arith.constant 16 : i32
        %mul3A_374 = arith.muli %scan3A_206, %mul3A_373 : i32
        %swap3A_375 = arith.constant 22 : i32
        %swap3A_376 = arith.index_cast %swap3A_375 : i32 to index
        %swap3A_377 = arith.index_cast %mul3A_374 : i32 to index
        %swap3A_378 = tpu.vector_load %arg9[%swap3A_376, %swap3A_377] {strides = array<i32>} : memref<32x512xf32, #tpu.memory_space<vmem>>, vector<16xf32>,
        tpu.vector_store %arg9[%swap3A_376, %swap3A_377], %gather3A_232 {strides = array<i32>} : memref<32x512xf32, #tpu.memory_space<vmem>>, vector<16xf32>,
        %mul3A_379 = arith.constant 16 : i32
        %mul3A_380 = arith.muli %scan3A_206, %mul3A_379 : i32
        %swap3A_381 = arith.constant 23 : i32
        %swap3A_382 = arith.index_cast %swap3A_381 : i32 to index
        %swap3A_383 = arith.index_cast %mul3A_380 : i32 to index
        %swap3A_384 = tpu.vector_load %arg9[%swap3A_382, %swap3A_383] {strides = array<i32>} : memref<32x512xf32, #tpu.memory_space<vmem>>, vector<16xf32>,
        tpu.vector_store %arg9[%swap3A_382, %swap3A_383], %gather3A_233 {strides = array<i32>} : memref<32x512xf32, #tpu.memory_space<vmem>>, vector<16xf32>,
        %mul3A_385 = arith.constant 16 : i32
        %mul3A_386 = arith.muli %scan3A_206, %mul3A_385 : i32
        %swap3A_387 = arith.constant 24 : i32
        %swap3A_388 = arith.index_cast %swap3A_387 : i32 to index
        %swap3A_389 = arith.index_cast %mul3A_386 : i32 to index
        %swap3A_390 = tpu.vector_load %arg9[%swap3A_388, %swap3A_389] {strides = array<i32>} : memref<32x512xf32, #tpu.memory_space<vmem>>, vector<16xf32>,
        tpu.vector_store %arg9[%swap3A_388, %swap3A_389], %gather3A_234 {strides = array<i32>} : memref<32x512xf32, #tpu.memory_space<vmem>>, vector<16xf32>,
        %mul3A_391 = arith.constant 16 : i32
        %mul3A_392 = arith.muli %scan3A_206, %mul3A_391 : i32
        %swap3A_393 = arith.constant 25 : i32
        %swap3A_394 = arith.index_cast %swap3A_393 : i32 to index
        %swap3A_395 = arith.index_cast %mul3A_392 : i32 to index
        %swap3A_396 = tpu.vector_load %arg9[%swap3A_394, %swap3A_395] {strides = array<i32>} : memref<32x512xf32, #tpu.memory_space<vmem>>, vector<16xf32>,
        tpu.vector_store %arg9[%swap3A_394, %swap3A_395], %gather3A_235 {strides = array<i32>} : memref<32x512xf32, #tpu.memory_space<vmem>>, vector<16xf32>,
        %mul3A_397 = arith.constant 16 : i32
        %mul3A_398 = arith.muli %scan3A_206, %mul3A_397 : i32
        %swap3A_399 = arith.constant 26 : i32
        %swap3A_400 = arith.index_cast %swap3A_399 : i32 to index
        %swap3A_401 = arith.index_cast %mul3A_398 : i32 to index
        %swap3A_402 = tpu.vector_load %arg9[%swap3A_400, %swap3A_401] {strides = array<i32>} : memref<32x512xf32, #tpu.memory_space<vmem>>, vector<16xf32>,
        tpu.vector_store %arg9[%swap3A_400, %swap3A_401], %gather3A_236 {strides = array<i32>} : memref<32x512xf32, #tpu.memory_space<vmem>>, vector<16xf32>,
        %mul3A_403 = arith.constant 16 : i32
        %mul3A_404 = arith.muli %scan3A_206, %mul3A_403 : i32
        %swap3A_405 = arith.constant 27 : i32
        %swap3A_406 = arith.index_cast %swap3A_405 : i32 to index
        %swap3A_407 = arith.index_cast %mul3A_404 : i32 to index
        %swap3A_408 = tpu.vector_load %arg9[%swap3A_406, %swap3A_407] {strides = array<i32>} : memref<32x512xf32, #tpu.memory_space<vmem>>, vector<16xf32>,
        tpu.vector_store %arg9[%swap3A_406, %swap3A_407], %gather3A_237 {strides = array<i32>} : memref<32x512xf32, #tpu.memory_space<vmem>>, vector<16xf32>,
        %mul3A_409 = arith.constant 16 : i32
        %mul3A_410 = arith.muli %scan3A_206, %mul3A_409 : i32
        %swap3A_411 = arith.constant 28 : i32
        %swap3A_412 = arith.index_cast %swap3A_411 : i32 to index
        %swap3A_413 = arith.index_cast %mul3A_410 : i32 to index
        %swap3A_414 = tpu.vector_load %arg9[%swap3A_412, %swap3A_413] {strides = array<i32>} : memref<32x512xf32, #tpu.memory_space<vmem>>, vector<16xf32>,
        tpu.vector_store %arg9[%swap3A_412, %swap3A_413], %gather3A_238 {strides = array<i32>} : memref<32x512xf32, #tpu.memory_space<vmem>>, vector<16xf32>,
        %mul3A_415 = arith.constant 16 : i32
        %mul3A_416 = arith.muli %scan3A_206, %mul3A_415 : i32
        %swap3A_417 = arith.constant 29 : i32
        %swap3A_418 = arith.index_cast %swap3A_417 : i32 to index
        %swap3A_419 = arith.index_cast %mul3A_416 : i32 to index
        %swap3A_420 = tpu.vector_load %arg9[%swap3A_418, %swap3A_419] {strides = array<i32>} : memref<32x512xf32, #tpu.memory_space<vmem>>, vector<16xf32>,
        tpu.vector_store %arg9[%swap3A_418, %swap3A_419], %gather3A_239 {strides = array<i32>} : memref<32x512xf32, #tpu.memory_space<vmem>>, vector<16xf32>,
        %mul3A_421 = arith.constant 16 : i32
        %mul3A_422 = arith.muli %scan3A_206, %mul3A_421 : i32
        %swap3A_423 = arith.constant 30 : i32
        %swap3A_424 = arith.index_cast %swap3A_423 : i32 to index
        %swap3A_425 = arith.index_cast %mul3A_422 : i32 to index
        %swap3A_426 = tpu.vector_load %arg9[%swap3A_424, %swap3A_425] {strides = array<i32>} : memref<32x512xf32, #tpu.memory_space<vmem>>, vector<16xf32>,
        tpu.vector_store %arg9[%swap3A_424, %swap3A_425], %gather3A_240 {strides = array<i32>} : memref<32x512xf32, #tpu.memory_space<vmem>>, vector<16xf32>,
        %mul3A_427 = arith.constant 16 : i32
        %mul3A_428 = arith.muli %scan3A_206, %mul3A_427 : i32
        %swap3A_429 = arith.constant 31 : i32
        %swap3A_430 = arith.index_cast %swap3A_429 : i32 to index
        %swap3A_431 = arith.index_cast %mul3A_428 : i32 to index
        %swap3A_432 = tpu.vector_load %arg9[%swap3A_430, %swap3A_431] {strides = array<i32>} : memref<32x512xf32, #tpu.memory_space<vmem>>, vector<16xf32>,
        tpu.vector_store %arg9[%swap3A_430, %swap3A_431], %gather3A_241 {strides = array<i32>} : memref<32x512xf32, #tpu.memory_space<vmem>>, vector<16xf32>,
        %scan3A_433 = arith.constant 0 : i32
        scf.yield %scan3A_433 : i32
      }
      %scan3A_189 = arith.constant 32 : i32
      %add3A_190 = arith.constant 2 : i32
      %add3A_191 = arith.addi %add3A_173, %add3A_190 : i32
      %lt3A_192 = arith.cmpi slt, %add3A_191, %add3A_4 : i32
      %convert_element_type3A_193 = arith.extui %lt3A_192 : i1 to i32
      %cond3A_194 = arith.constant 0 : i32
      %cond3A_195 = arith.cmpi ne, %convert_element_type3A_193, %cond3A_194 : i32
      scf.if %cond3A_195 {
        %add3A_206 = arith.constant 2 : i32
        %add3A_207 = arith.addi %add3A_173, %add3A_206 : i32
        %mul3A_208 = arith.constant 32 : i32
        %mul3A_209 = arith.muli %add3A_207, %mul3A_208 : i32
        %add3A_210 = arith.addi %add3A, %mul3A_209 : i32
        %mul3A_211 = arith.constant 512 : i32
        %mul3A_212 = arith.muli %add3A_210, %mul3A_211 : i32
        %dma_start3A_213 = tpu.memref_slice %arg2[%mul3A_212] : memref<1600000xi32, #tpu.memory_space<hbm>> -> memref<512xi32, #tpu.memory_space<hbm>>
        %dma_start3A_214 = tpu.memref_slice %arg2[%mul3A_212] : memref<1600000xi32, #tpu.memory_space<hbm>> -> memref<512xi32, #tpu.memory_space<hbm>>
        tpu.enqueue_dma source(%dma_start3A_214 : memref<512xi32, #tpu.memory_space<hbm>>) target(%arg7 : memref<512xi32, #tpu.memory_space<vmem>>) target_semaphore(%arg11 : memref<!tpu.dma_semaphore, #tpu.memory_space<semaphore_mem>>)
      } else {
      }
      %mul3A_196 = arith.constant 32 : i32
      %mul3A_197 = arith.muli %add3A_173, %mul3A_196 : i32
      %add3A_198 = arith.addi %add3A, %mul3A_197 : i32
      %mul3A_199 = arith.constant 512 : i32
      %mul3A_200 = arith.muli %add3A_198, %mul3A_199 : i32
      %dma_start3A_201 = arith.constant 0 : i32
      %dma_start3A_202 = tpu.memref_slice %arg4[%dma_start3A_201, %mul3A_200] : memref<32x1600000xf32, #tpu.memory_space<hbm>> -> memref<32x512xf32, #tpu.memory_space<hbm>>
      %dma_start3A_203 = arith.constant 0 : i32
      %dma_start3A_204 = tpu.memref_slice %arg4[%dma_start3A_203, %mul3A_200] : memref<32x1600000xf32, #tpu.memory_space<hbm>> -> memref<32x512xf32, #tpu.memory_space<hbm>>
      tpu.enqueue_dma source(%arg9 : memref<32x512xf32, #tpu.memory_space<vmem>>) target(%dma_start3A_204 : memref<32x512xf32, #tpu.memory_space<hbm>>) target_semaphore(%arg13 : memref<!tpu.dma_semaphore, #tpu.memory_space<semaphore_mem>>)
      %while3A_205 = arith.constant 0 : i32
      scf.yield %while3A_205 : i32
    }
    %while3A_106 = arith.constant 1 : i32
    %while3A_107 = scf.for %while3A_137 = %while3A_103 to %while3A_99 step %while3A_106 iter_args(%while3A_138 = %while3A_105) -> (i32)  : i32 {
      %mul3A_139 = arith.constant 2 : i32
      %mul3A_140 = arith.muli %mul3A_139, %while3A_137 : i32
      %dma_wait3A_141 = arith.constant 0 : i32
      %dma_wait3A_142 = tpu.memref_slice %arg2[%dma_wait3A_141] : memref<1600000xi32, #tpu.memory_space<hbm>> -> memref<512xi32, #tpu.memory_space<hbm>>
      %dma_wait3A_143 = arith.constant 0 : i32
      %dma_wait3A_144 = tpu.memref_slice %arg2[%dma_wait3A_143] : memref<1600000xi32, #tpu.memory_space<hbm>> -> memref<512xi32, #tpu.memory_space<hbm>>
      tpu.wait_dma2 semaphore(%arg10 : memref<!tpu.dma_semaphore, #tpu.memory_space<semaphore_mem>>) src(%dma_wait3A_144 : memref<512xi32, #tpu.memory_space<hbm>>) dst(%arg6 : memref<512xi32, #tpu.memory_space<vmem>>)
      %gt3A = arith.constant 0 : i32
      %gt3A_145 = arith.cmpi sgt, %while3A_137, %gt3A : i32
      %convert_element_type3A_146 = arith.extui %gt3A_145 : i1 to i32
      %cond3A_147 = arith.constant 0 : i32
      %cond3A_148 = arith.cmpi ne, %convert_element_type3A_146, %cond3A_147 : i32
      scf.if %cond3A_148 {
        %dma_wait3A_206 = arith.constant 0 : i32
        %dma_wait3A_207 = arith.constant 0 : i32
        %dma_wait3A_208 = tpu.memref_slice %arg4[%dma_wait3A_206, %dma_wait3A_207] : memref<32x1600000xf32, #tpu.memory_space<hbm>> -> memref<32x512xf32, #tpu.memory_space<hbm>>
        %dma_wait3A_209 = arith.constant 0 : i32
        %dma_wait3A_210 = arith.constant 0 : i32
        %dma_wait3A_211 = tpu.memref_slice %arg4[%dma_wait3A_209, %dma_wait3A_210] : memref<32x1600000xf32, #tpu.memory_space<hbm>> -> memref<32x512xf32, #tpu.memory_space<hbm>>
        tpu.wait_dma2 semaphore(%arg12 : memref<!tpu.dma_semaphore, #tpu.memory_space<semaphore_mem>>) src(%arg8 : memref<32x512xf32, #tpu.memory_space<vmem>>) dst(%dma_wait3A_211 : memref<32x512xf32, #tpu.memory_space<hbm>>)
      } else {
      }
      %scan3A = arith.constant 0 : i32
      %scan3A_149 = arith.constant 0 : i32
      %scan3A_150 = arith.constant 32 : i32
      %scan3A_151 = arith.addi %scan3A_149, %scan3A_150 : i32
      %scan3A_152 = arith.constant 1 : i32
      %scan3A_153 = scf.for %scan3A_206 = %scan3A_149 to %scan3A_151 step %scan3A_152 iter_args(%scan3A_207 = %scan3A) -> (i32)  : i32 {
        %mul3A_208 = arith.constant 16 : i32
        %mul3A_209 = arith.muli %scan3A_206, %mul3A_208 : i32
        %get3A = arith.index_cast %mul3A_209 : i32 to index
        %get3A_210 = tpu.vector_load %arg6[%get3A] {strides = array<i32>} : memref<512xi32, #tpu.memory_space<vmem>>, vector<16xi32>,
        %gather3A = tpu.vector_load_idx %arg5[%broadcast_in_dim3A_16, %get3A_210] : memref<32x1000xf32, #tpu.memory_space<vmem>>[vector<16xi32>, vector<16xi32>], vector<16xf32>,
        %gather3A_211 = tpu.vector_load_idx %arg5[%broadcast_in_dim3A_18, %get3A_210] : memref<32x1000xf32, #tpu.memory_space<vmem>>[vector<16xi32>, vector<16xi32>], vector<16xf32>,
        %gather3A_212 = tpu.vector_load_idx %arg5[%broadcast_in_dim3A_20, %get3A_210] : memref<32x1000xf32, #tpu.memory_space<vmem>>[vector<16xi32>, vector<16xi32>], vector<16xf32>,
        %gather3A_213 = tpu.vector_load_idx %arg5[%broadcast_in_dim3A_22, %get3A_210] : memref<32x1000xf32, #tpu.memory_space<vmem>>[vector<16xi32>, vector<16xi32>], vector<16xf32>,
        %gather3A_214 = tpu.vector_load_idx %arg5[%broadcast_in_dim3A_24, %get3A_210] : memref<32x1000xf32, #tpu.memory_space<vmem>>[vector<16xi32>, vector<16xi32>], vector<16xf32>,
        %gather3A_215 = tpu.vector_load_idx %arg5[%broadcast_in_dim3A_26, %get3A_210] : memref<32x1000xf32, #tpu.memory_space<vmem>>[vector<16xi32>, vector<16xi32>], vector<16xf32>,
        %gather3A_216 = tpu.vector_load_idx %arg5[%broadcast_in_dim3A_28, %get3A_210] : memref<32x1000xf32, #tpu.memory_space<vmem>>[vector<16xi32>, vector<16xi32>], vector<16xf32>,
        %gather3A_217 = tpu.vector_load_idx %arg5[%broadcast_in_dim3A_30, %get3A_210] : memref<32x1000xf32, #tpu.memory_space<vmem>>[vector<16xi32>, vector<16xi32>], vector<16xf32>,
        %gather3A_218 = tpu.vector_load_idx %arg5[%broadcast_in_dim3A_32, %get3A_210] : memref<32x1000xf32, #tpu.memory_space<vmem>>[vector<16xi32>, vector<16xi32>], vector<16xf32>,
        %gather3A_219 = tpu.vector_load_idx %arg5[%broadcast_in_dim3A_34, %get3A_210] : memref<32x1000xf32, #tpu.memory_space<vmem>>[vector<16xi32>, vector<16xi32>], vector<16xf32>,
        %gather3A_220 = tpu.vector_load_idx %arg5[%broadcast_in_dim3A_36, %get3A_210] : memref<32x1000xf32, #tpu.memory_space<vmem>>[vector<16xi32>, vector<16xi32>], vector<16xf32>,
        %gather3A_221 = tpu.vector_load_idx %arg5[%broadcast_in_dim3A_38, %get3A_210] : memref<32x1000xf32, #tpu.memory_space<vmem>>[vector<16xi32>, vector<16xi32>], vector<16xf32>,
        %gather3A_222 = tpu.vector_load_idx %arg5[%broadcast_in_dim3A_40, %get3A_210] : memref<32x1000xf32, #tpu.memory_space<vmem>>[vector<16xi32>, vector<16xi32>], vector<16xf32>,
        %gather3A_223 = tpu.vector_load_idx %arg5[%broadcast_in_dim3A_42, %get3A_210] : memref<32x1000xf32, #tpu.memory_space<vmem>>[vector<16xi32>, vector<16xi32>], vector<16xf32>,
        %gather3A_224 = tpu.vector_load_idx %arg5[%broadcast_in_dim3A_44, %get3A_210] : memref<32x1000xf32, #tpu.memory_space<vmem>>[vector<16xi32>, vector<16xi32>], vector<16xf32>,
        %gather3A_225 = tpu.vector_load_idx %arg5[%broadcast_in_dim3A_46, %get3A_210] : memref<32x1000xf32, #tpu.memory_space<vmem>>[vector<16xi32>, vector<16xi32>], vector<16xf32>,
        %gather3A_226 = tpu.vector_load_idx %arg5[%broadcast_in_dim3A_48, %get3A_210] : memref<32x1000xf32, #tpu.memory_space<vmem>>[vector<16xi32>, vector<16xi32>], vector<16xf32>,
        %gather3A_227 = tpu.vector_load_idx %arg5[%broadcast_in_dim3A_50, %get3A_210] : memref<32x1000xf32, #tpu.memory_space<vmem>>[vector<16xi32>, vector<16xi32>], vector<16xf32>,
        %gather3A_228 = tpu.vector_load_idx %arg5[%broadcast_in_dim3A_52, %get3A_210] : memref<32x1000xf32, #tpu.memory_space<vmem>>[vector<16xi32>, vector<16xi32>], vector<16xf32>,
        %gather3A_229 = tpu.vector_load_idx %arg5[%broadcast_in_dim3A_54, %get3A_210] : memref<32x1000xf32, #tpu.memory_space<vmem>>[vector<16xi32>, vector<16xi32>], vector<16xf32>,
        %gather3A_230 = tpu.vector_load_idx %arg5[%broadcast_in_dim3A_56, %get3A_210] : memref<32x1000xf32, #tpu.memory_space<vmem>>[vector<16xi32>, vector<16xi32>], vector<16xf32>,
        %gather3A_231 = tpu.vector_load_idx %arg5[%broadcast_in_dim3A_58, %get3A_210] : memref<32x1000xf32, #tpu.memory_space<vmem>>[vector<16xi32>, vector<16xi32>], vector<16xf32>,
        %gather3A_232 = tpu.vector_load_idx %arg5[%broadcast_in_dim3A_60, %get3A_210] : memref<32x1000xf32, #tpu.memory_space<vmem>>[vector<16xi32>, vector<16xi32>], vector<16xf32>,
        %gather3A_233 = tpu.vector_load_idx %arg5[%broadcast_in_dim3A_62, %get3A_210] : memref<32x1000xf32, #tpu.memory_space<vmem>>[vector<16xi32>, vector<16xi32>], vector<16xf32>,
        %gather3A_234 = tpu.vector_load_idx %arg5[%broadcast_in_dim3A_64, %get3A_210] : memref<32x1000xf32, #tpu.memory_space<vmem>>[vector<16xi32>, vector<16xi32>], vector<16xf32>,
        %gather3A_235 = tpu.vector_load_idx %arg5[%broadcast_in_dim3A_66, %get3A_210] : memref<32x1000xf32, #tpu.memory_space<vmem>>[vector<16xi32>, vector<16xi32>], vector<16xf32>,
        %gather3A_236 = tpu.vector_load_idx %arg5[%broadcast_in_dim3A_68, %get3A_210] : memref<32x1000xf32, #tpu.memory_space<vmem>>[vector<16xi32>, vector<16xi32>], vector<16xf32>,
        %gather3A_237 = tpu.vector_load_idx %arg5[%broadcast_in_dim3A_70, %get3A_210] : memref<32x1000xf32, #tpu.memory_space<vmem>>[vector<16xi32>, vector<16xi32>], vector<16xf32>,
        %gather3A_238 = tpu.vector_load_idx %arg5[%broadcast_in_dim3A_72, %get3A_210] : memref<32x1000xf32, #tpu.memory_space<vmem>>[vector<16xi32>, vector<16xi32>], vector<16xf32>,
        %gather3A_239 = tpu.vector_load_idx %arg5[%broadcast_in_dim3A_74, %get3A_210] : memref<32x1000xf32, #tpu.memory_space<vmem>>[vector<16xi32>, vector<16xi32>], vector<16xf32>,
        %gather3A_240 = tpu.vector_load_idx %arg5[%broadcast_in_dim3A_76, %get3A_210] : memref<32x1000xf32, #tpu.memory_space<vmem>>[vector<16xi32>, vector<16xi32>], vector<16xf32>,
        %gather3A_241 = tpu.vector_load_idx %arg5[%broadcast_in_dim3A_78, %get3A_210] : memref<32x1000xf32, #tpu.memory_space<vmem>>[vector<16xi32>, vector<16xi32>], vector<16xf32>,
        %mul3A_242 = arith.constant 16 : i32
        %mul3A_243 = arith.muli %scan3A_206, %mul3A_242 : i32
        %swap3A = arith.constant 0 : i32
        %swap3A_244 = arith.index_cast %swap3A : i32 to index
        %swap3A_245 = arith.index_cast %mul3A_243 : i32 to index
        %swap3A_246 = tpu.vector_load %arg8[%swap3A_244, %swap3A_245] {strides = array<i32>} : memref<32x512xf32, #tpu.memory_space<vmem>>, vector<16xf32>,
        tpu.vector_store %arg8[%swap3A_244, %swap3A_245], %gather3A {strides = array<i32>} : memref<32x512xf32, #tpu.memory_space<vmem>>, vector<16xf32>,
        %mul3A_247 = arith.constant 16 : i32
        %mul3A_248 = arith.muli %scan3A_206, %mul3A_247 : i32
        %swap3A_249 = arith.constant 1 : i32
        %swap3A_250 = arith.index_cast %swap3A_249 : i32 to index
        %swap3A_251 = arith.index_cast %mul3A_248 : i32 to index
        %swap3A_252 = tpu.vector_load %arg8[%swap3A_250, %swap3A_251] {strides = array<i32>} : memref<32x512xf32, #tpu.memory_space<vmem>>, vector<16xf32>,
        tpu.vector_store %arg8[%swap3A_250, %swap3A_251], %gather3A_211 {strides = array<i32>} : memref<32x512xf32, #tpu.memory_space<vmem>>, vector<16xf32>,
        %mul3A_253 = arith.constant 16 : i32
        %mul3A_254 = arith.muli %scan3A_206, %mul3A_253 : i32
        %swap3A_255 = arith.constant 2 : i32
        %swap3A_256 = arith.index_cast %swap3A_255 : i32 to index
        %swap3A_257 = arith.index_cast %mul3A_254 : i32 to index
        %swap3A_258 = tpu.vector_load %arg8[%swap3A_256, %swap3A_257] {strides = array<i32>} : memref<32x512xf32, #tpu.memory_space<vmem>>, vector<16xf32>,
        tpu.vector_store %arg8[%swap3A_256, %swap3A_257], %gather3A_212 {strides = array<i32>} : memref<32x512xf32, #tpu.memory_space<vmem>>, vector<16xf32>,
        %mul3A_259 = arith.constant 16 : i32
        %mul3A_260 = arith.muli %scan3A_206, %mul3A_259 : i32
        %swap3A_261 = arith.constant 3 : i32
        %swap3A_262 = arith.index_cast %swap3A_261 : i32 to index
        %swap3A_263 = arith.index_cast %mul3A_260 : i32 to index
        %swap3A_264 = tpu.vector_load %arg8[%swap3A_262, %swap3A_263] {strides = array<i32>} : memref<32x512xf32, #tpu.memory_space<vmem>>, vector<16xf32>,
        tpu.vector_store %arg8[%swap3A_262, %swap3A_263], %gather3A_213 {strides = array<i32>} : memref<32x512xf32, #tpu.memory_space<vmem>>, vector<16xf32>,
        %mul3A_265 = arith.constant 16 : i32
        %mul3A_266 = arith.muli %scan3A_206, %mul3A_265 : i32
        %swap3A_267 = arith.constant 4 : i32
        %swap3A_268 = arith.index_cast %swap3A_267 : i32 to index
        %swap3A_269 = arith.index_cast %mul3A_266 : i32 to index
        %swap3A_270 = tpu.vector_load %arg8[%swap3A_268, %swap3A_269] {strides = array<i32>} : memref<32x512xf32, #tpu.memory_space<vmem>>, vector<16xf32>,
        tpu.vector_store %arg8[%swap3A_268, %swap3A_269], %gather3A_214 {strides = array<i32>} : memref<32x512xf32, #tpu.memory_space<vmem>>, vector<16xf32>,
        %mul3A_271 = arith.constant 16 : i32
        %mul3A_272 = arith.muli %scan3A_206, %mul3A_271 : i32
        %swap3A_273 = arith.constant 5 : i32
        %swap3A_274 = arith.index_cast %swap3A_273 : i32 to index
        %swap3A_275 = arith.index_cast %mul3A_272 : i32 to index
        %swap3A_276 = tpu.vector_load %arg8[%swap3A_274, %swap3A_275] {strides = array<i32>} : memref<32x512xf32, #tpu.memory_space<vmem>>, vector<16xf32>,
        tpu.vector_store %arg8[%swap3A_274, %swap3A_275], %gather3A_215 {strides = array<i32>} : memref<32x512xf32, #tpu.memory_space<vmem>>, vector<16xf32>,
        %mul3A_277 = arith.constant 16 : i32
        %mul3A_278 = arith.muli %scan3A_206, %mul3A_277 : i32
        %swap3A_279 = arith.constant 6 : i32
        %swap3A_280 = arith.index_cast %swap3A_279 : i32 to index
        %swap3A_281 = arith.index_cast %mul3A_278 : i32 to index
        %swap3A_282 = tpu.vector_load %arg8[%swap3A_280, %swap3A_281] {strides = array<i32>} : memref<32x512xf32, #tpu.memory_space<vmem>>, vector<16xf32>,
        tpu.vector_store %arg8[%swap3A_280, %swap3A_281], %gather3A_216 {strides = array<i32>} : memref<32x512xf32, #tpu.memory_space<vmem>>, vector<16xf32>,
        %mul3A_283 = arith.constant 16 : i32
        %mul3A_284 = arith.muli %scan3A_206, %mul3A_283 : i32
        %swap3A_285 = arith.constant 7 : i32
        %swap3A_286 = arith.index_cast %swap3A_285 : i32 to index
        %swap3A_287 = arith.index_cast %mul3A_284 : i32 to index
        %swap3A_288 = tpu.vector_load %arg8[%swap3A_286, %swap3A_287] {strides = array<i32>} : memref<32x512xf32, #tpu.memory_space<vmem>>, vector<16xf32>,
        tpu.vector_store %arg8[%swap3A_286, %swap3A_287], %gather3A_217 {strides = array<i32>} : memref<32x512xf32, #tpu.memory_space<vmem>>, vector<16xf32>,
        %mul3A_289 = arith.constant 16 : i32
        %mul3A_290 = arith.muli %scan3A_206, %mul3A_289 : i32
        %swap3A_291 = arith.constant 8 : i32
        %swap3A_292 = arith.index_cast %swap3A_291 : i32 to index
        %swap3A_293 = arith.index_cast %mul3A_290 : i32 to index
        %swap3A_294 = tpu.vector_load %arg8[%swap3A_292, %swap3A_293] {strides = array<i32>} : memref<32x512xf32, #tpu.memory_space<vmem>>, vector<16xf32>,
        tpu.vector_store %arg8[%swap3A_292, %swap3A_293], %gather3A_218 {strides = array<i32>} : memref<32x512xf32, #tpu.memory_space<vmem>>, vector<16xf32>,
        %mul3A_295 = arith.constant 16 : i32
        %mul3A_296 = arith.muli %scan3A_206, %mul3A_295 : i32
        %swap3A_297 = arith.constant 9 : i32
        %swap3A_298 = arith.index_cast %swap3A_297 : i32 to index
        %swap3A_299 = arith.index_cast %mul3A_296 : i32 to index
        %swap3A_300 = tpu.vector_load %arg8[%swap3A_298, %swap3A_299] {strides = array<i32>} : memref<32x512xf32, #tpu.memory_space<vmem>>, vector<16xf32>,
        tpu.vector_store %arg8[%swap3A_298, %swap3A_299], %gather3A_219 {strides = array<i32>} : memref<32x512xf32, #tpu.memory_space<vmem>>, vector<16xf32>,
        %mul3A_301 = arith.constant 16 : i32
        %mul3A_302 = arith.muli %scan3A_206, %mul3A_301 : i32
        %swap3A_303 = arith.constant 10 : i32
        %swap3A_304 = arith.index_cast %swap3A_303 : i32 to index
        %swap3A_305 = arith.index_cast %mul3A_302 : i32 to index
        %swap3A_306 = tpu.vector_load %arg8[%swap3A_304, %swap3A_305] {strides = array<i32>} : memref<32x512xf32, #tpu.memory_space<vmem>>, vector<16xf32>,
        tpu.vector_store %arg8[%swap3A_304, %swap3A_305], %gather3A_220 {strides = array<i32>} : memref<32x512xf32, #tpu.memory_space<vmem>>, vector<16xf32>,
        %mul3A_307 = arith.constant 16 : i32
        %mul3A_308 = arith.muli %scan3A_206, %mul3A_307 : i32
        %swap3A_309 = arith.constant 11 : i32
        %swap3A_310 = arith.index_cast %swap3A_309 : i32 to index
        %swap3A_311 = arith.index_cast %mul3A_308 : i32 to index
        %swap3A_312 = tpu.vector_load %arg8[%swap3A_310, %swap3A_311] {strides = array<i32>} : memref<32x512xf32, #tpu.memory_space<vmem>>, vector<16xf32>,
        tpu.vector_store %arg8[%swap3A_310, %swap3A_311], %gather3A_221 {strides = array<i32>} : memref<32x512xf32, #tpu.memory_space<vmem>>, vector<16xf32>,
        %mul3A_313 = arith.constant 16 : i32
        %mul3A_314 = arith.muli %scan3A_206, %mul3A_313 : i32
        %swap3A_315 = arith.constant 12 : i32
        %swap3A_316 = arith.index_cast %swap3A_315 : i32 to index
        %swap3A_317 = arith.index_cast %mul3A_314 : i32 to index
        %swap3A_318 = tpu.vector_load %arg8[%swap3A_316, %swap3A_317] {strides = array<i32>} : memref<32x512xf32, #tpu.memory_space<vmem>>, vector<16xf32>,
        tpu.vector_store %arg8[%swap3A_316, %swap3A_317], %gather3A_222 {strides = array<i32>} : memref<32x512xf32, #tpu.memory_space<vmem>>, vector<16xf32>,
        %mul3A_319 = arith.constant 16 : i32
        %mul3A_320 = arith.muli %scan3A_206, %mul3A_319 : i32
        %swap3A_321 = arith.constant 13 : i32
        %swap3A_322 = arith.index_cast %swap3A_321 : i32 to index
        %swap3A_323 = arith.index_cast %mul3A_320 : i32 to index
        %swap3A_324 = tpu.vector_load %arg8[%swap3A_322, %swap3A_323] {strides = array<i32>} : memref<32x512xf32, #tpu.memory_space<vmem>>, vector<16xf32>,
        tpu.vector_store %arg8[%swap3A_322, %swap3A_323], %gather3A_223 {strides = array<i32>} : memref<32x512xf32, #tpu.memory_space<vmem>>, vector<16xf32>,
        %mul3A_325 = arith.constant 16 : i32
        %mul3A_326 = arith.muli %scan3A_206, %mul3A_325 : i32
        %swap3A_327 = arith.constant 14 : i32
        %swap3A_328 = arith.index_cast %swap3A_327 : i32 to index
        %swap3A_329 = arith.index_cast %mul3A_326 : i32 to index
        %swap3A_330 = tpu.vector_load %arg8[%swap3A_328, %swap3A_329] {strides = array<i32>} : memref<32x512xf32, #tpu.memory_space<vmem>>, vector<16xf32>,
        tpu.vector_store %arg8[%swap3A_328, %swap3A_329], %gather3A_224 {strides = array<i32>} : memref<32x512xf32, #tpu.memory_space<vmem>>, vector<16xf32>,
        %mul3A_331 = arith.constant 16 : i32
        %mul3A_332 = arith.muli %scan3A_206, %mul3A_331 : i32
        %swap3A_333 = arith.constant 15 : i32
        %swap3A_334 = arith.index_cast %swap3A_333 : i32 to index
        %swap3A_335 = arith.index_cast %mul3A_332 : i32 to index
        %swap3A_336 = tpu.vector_load %arg8[%swap3A_334, %swap3A_335] {strides = array<i32>} : memref<32x512xf32, #tpu.memory_space<vmem>>, vector<16xf32>,
        tpu.vector_store %arg8[%swap3A_334, %swap3A_335], %gather3A_225 {strides = array<i32>} : memref<32x512xf32, #tpu.memory_space<vmem>>, vector<16xf32>,
        %mul3A_337 = arith.constant 16 : i32
        %mul3A_338 = arith.muli %scan3A_206, %mul3A_337 : i32
        %swap3A_339 = arith.constant 16 : i32
        %swap3A_340 = arith.index_cast %swap3A_339 : i32 to index
        %swap3A_341 = arith.index_cast %mul3A_338 : i32 to index
        %swap3A_342 = tpu.vector_load %arg8[%swap3A_340, %swap3A_341] {strides = array<i32>} : memref<32x512xf32, #tpu.memory_space<vmem>>, vector<16xf32>,
        tpu.vector_store %arg8[%swap3A_340, %swap3A_341], %gather3A_226 {strides = array<i32>} : memref<32x512xf32, #tpu.memory_space<vmem>>, vector<16xf32>,
        %mul3A_343 = arith.constant 16 : i32
        %mul3A_344 = arith.muli %scan3A_206, %mul3A_343 : i32
        %swap3A_345 = arith.constant 17 : i32
        %swap3A_346 = arith.index_cast %swap3A_345 : i32 to index
        %swap3A_347 = arith.index_cast %mul3A_344 : i32 to index
        %swap3A_348 = tpu.vector_load %arg8[%swap3A_346, %swap3A_347] {strides = array<i32>} : memref<32x512xf32, #tpu.memory_space<vmem>>, vector<16xf32>,
        tpu.vector_store %arg8[%swap3A_346, %swap3A_347], %gather3A_227 {strides = array<i32>} : memref<32x512xf32, #tpu.memory_space<vmem>>, vector<16xf32>,
        %mul3A_349 = arith.constant 16 : i32
        %mul3A_350 = arith.muli %scan3A_206, %mul3A_349 : i32
        %swap3A_351 = arith.constant 18 : i32
        %swap3A_352 = arith.index_cast %swap3A_351 : i32 to index
        %swap3A_353 = arith.index_cast %mul3A_350 : i32 to index
        %swap3A_354 = tpu.vector_load %arg8[%swap3A_352, %swap3A_353] {strides = array<i32>} : memref<32x512xf32, #tpu.memory_space<vmem>>, vector<16xf32>,
        tpu.vector_store %arg8[%swap3A_352, %swap3A_353], %gather3A_228 {strides = array<i32>} : memref<32x512xf32, #tpu.memory_space<vmem>>, vector<16xf32>,
        %mul3A_355 = arith.constant 16 : i32
        %mul3A_356 = arith.muli %scan3A_206, %mul3A_355 : i32
        %swap3A_357 = arith.constant 19 : i32
        %swap3A_358 = arith.index_cast %swap3A_357 : i32 to index
        %swap3A_359 = arith.index_cast %mul3A_356 : i32 to index
        %swap3A_360 = tpu.vector_load %arg8[%swap3A_358, %swap3A_359] {strides = array<i32>} : memref<32x512xf32, #tpu.memory_space<vmem>>, vector<16xf32>,
        tpu.vector_store %arg8[%swap3A_358, %swap3A_359], %gather3A_229 {strides = array<i32>} : memref<32x512xf32, #tpu.memory_space<vmem>>, vector<16xf32>,
        %mul3A_361 = arith.constant 16 : i32
        %mul3A_362 = arith.muli %scan3A_206, %mul3A_361 : i32
        %swap3A_363 = arith.constant 20 : i32
        %swap3A_364 = arith.index_cast %swap3A_363 : i32 to index
        %swap3A_365 = arith.index_cast %mul3A_362 : i32 to index
        %swap3A_366 = tpu.vector_load %arg8[%swap3A_364, %swap3A_365] {strides = array<i32>} : memref<32x512xf32, #tpu.memory_space<vmem>>, vector<16xf32>,
        tpu.vector_store %arg8[%swap3A_364, %swap3A_365], %gather3A_230 {strides = array<i32>} : memref<32x512xf32, #tpu.memory_space<vmem>>, vector<16xf32>,
        %mul3A_367 = arith.constant 16 : i32
        %mul3A_368 = arith.muli %scan3A_206, %mul3A_367 : i32
        %swap3A_369 = arith.constant 21 : i32
        %swap3A_370 = arith.index_cast %swap3A_369 : i32 to index
        %swap3A_371 = arith.index_cast %mul3A_368 : i32 to index
        %swap3A_372 = tpu.vector_load %arg8[%swap3A_370, %swap3A_371] {strides = array<i32>} : memref<32x512xf32, #tpu.memory_space<vmem>>, vector<16xf32>,
        tpu.vector_store %arg8[%swap3A_370, %swap3A_371], %gather3A_231 {strides = array<i32>} : memref<32x512xf32, #tpu.memory_space<vmem>>, vector<16xf32>,
        %mul3A_373 = arith.constant 16 : i32
        %mul3A_374 = arith.muli %scan3A_206, %mul3A_373 : i32
        %swap3A_375 = arith.constant 22 : i32
        %swap3A_376 = arith.index_cast %swap3A_375 : i32 to index
        %swap3A_377 = arith.index_cast %mul3A_374 : i32 to index
        %swap3A_378 = tpu.vector_load %arg8[%swap3A_376, %swap3A_377] {strides = array<i32>} : memref<32x512xf32, #tpu.memory_space<vmem>>, vector<16xf32>,
        tpu.vector_store %arg8[%swap3A_376, %swap3A_377], %gather3A_232 {strides = array<i32>} : memref<32x512xf32, #tpu.memory_space<vmem>>, vector<16xf32>,
        %mul3A_379 = arith.constant 16 : i32
        %mul3A_380 = arith.muli %scan3A_206, %mul3A_379 : i32
        %swap3A_381 = arith.constant 23 : i32
        %swap3A_382 = arith.index_cast %swap3A_381 : i32 to index
        %swap3A_383 = arith.index_cast %mul3A_380 : i32 to index
        %swap3A_384 = tpu.vector_load %arg8[%swap3A_382, %swap3A_383] {strides = array<i32>} : memref<32x512xf32, #tpu.memory_space<vmem>>, vector<16xf32>,
        tpu.vector_store %arg8[%swap3A_382, %swap3A_383], %gather3A_233 {strides = array<i32>} : memref<32x512xf32, #tpu.memory_space<vmem>>, vector<16xf32>,
        %mul3A_385 = arith.constant 16 : i32
        %mul3A_386 = arith.muli %scan3A_206, %mul3A_385 : i32
        %swap3A_387 = arith.constant 24 : i32
        %swap3A_388 = arith.index_cast %swap3A_387 : i32 to index
        %swap3A_389 = arith.index_cast %mul3A_386 : i32 to index
        %swap3A_390 = tpu.vector_load %arg8[%swap3A_388, %swap3A_389] {strides = array<i32>} : memref<32x512xf32, #tpu.memory_space<vmem>>, vector<16xf32>,
        tpu.vector_store %arg8[%swap3A_388, %swap3A_389], %gather3A_234 {strides = array<i32>} : memref<32x512xf32, #tpu.memory_space<vmem>>, vector<16xf32>,
        %mul3A_391 = arith.constant 16 : i32
        %mul3A_392 = arith.muli %scan3A_206, %mul3A_391 : i32
        %swap3A_393 = arith.constant 25 : i32
        %swap3A_394 = arith.index_cast %swap3A_393 : i32 to index
        %swap3A_395 = arith.index_cast %mul3A_392 : i32 to index
        %swap3A_396 = tpu.vector_load %arg8[%swap3A_394, %swap3A_395] {strides = array<i32>} : memref<32x512xf32, #tpu.memory_space<vmem>>, vector<16xf32>,
        tpu.vector_store %arg8[%swap3A_394, %swap3A_395], %gather3A_235 {strides = array<i32>} : memref<32x512xf32, #tpu.memory_space<vmem>>, vector<16xf32>,
        %mul3A_397 = arith.constant 16 : i32
        %mul3A_398 = arith.muli %scan3A_206, %mul3A_397 : i32
        %swap3A_399 = arith.constant 26 : i32
        %swap3A_400 = arith.index_cast %swap3A_399 : i32 to index
        %swap3A_401 = arith.index_cast %mul3A_398 : i32 to index
        %swap3A_402 = tpu.vector_load %arg8[%swap3A_400, %swap3A_401] {strides = array<i32>} : memref<32x512xf32, #tpu.memory_space<vmem>>, vector<16xf32>,
        tpu.vector_store %arg8[%swap3A_400, %swap3A_401], %gather3A_236 {strides = array<i32>} : memref<32x512xf32, #tpu.memory_space<vmem>>, vector<16xf32>,
        %mul3A_403 = arith.constant 16 : i32
        %mul3A_404 = arith.muli %scan3A_206, %mul3A_403 : i32
        %swap3A_405 = arith.constant 27 : i32
        %swap3A_406 = arith.index_cast %swap3A_405 : i32 to index
        %swap3A_407 = arith.index_cast %mul3A_404 : i32 to index
        %swap3A_408 = tpu.vector_load %arg8[%swap3A_406, %swap3A_407] {strides = array<i32>} : memref<32x512xf32, #tpu.memory_space<vmem>>, vector<16xf32>,
        tpu.vector_store %arg8[%swap3A_406, %swap3A_407], %gather3A_237 {strides = array<i32>} : memref<32x512xf32, #tpu.memory_space<vmem>>, vector<16xf32>,
        %mul3A_409 = arith.constant 16 : i32
        %mul3A_410 = arith.muli %scan3A_206, %mul3A_409 : i32
        %swap3A_411 = arith.constant 28 : i32
        %swap3A_412 = arith.index_cast %swap3A_411 : i32 to index
        %swap3A_413 = arith.index_cast %mul3A_410 : i32 to index
        %swap3A_414 = tpu.vector_load %arg8[%swap3A_412, %swap3A_413] {strides = array<i32>} : memref<32x512xf32, #tpu.memory_space<vmem>>, vector<16xf32>,
        tpu.vector_store %arg8[%swap3A_412, %swap3A_413], %gather3A_238 {strides = array<i32>} : memref<32x512xf32, #tpu.memory_space<vmem>>, vector<16xf32>,
        %mul3A_415 = arith.constant 16 : i32
        %mul3A_416 = arith.muli %scan3A_206, %mul3A_415 : i32
        %swap3A_417 = arith.constant 29 : i32
        %swap3A_418 = arith.index_cast %swap3A_417 : i32 to index
        %swap3A_419 = arith.index_cast %mul3A_416 : i32 to index
        %swap3A_420 = tpu.vector_load %arg8[%swap3A_418, %swap3A_419] {strides = array<i32>} : memref<32x512xf32, #tpu.memory_space<vmem>>, vector<16xf32>,
        tpu.vector_store %arg8[%swap3A_418, %swap3A_419], %gather3A_239 {strides = array<i32>} : memref<32x512xf32, #tpu.memory_space<vmem>>, vector<16xf32>,
        %mul3A_421 = arith.constant 16 : i32
        %mul3A_422 = arith.muli %scan3A_206, %mul3A_421 : i32
        %swap3A_423 = arith.constant 30 : i32
        %swap3A_424 = arith.index_cast %swap3A_423 : i32 to index
        %swap3A_425 = arith.index_cast %mul3A_422 : i32 to index
        %swap3A_426 = tpu.vector_load %arg8[%swap3A_424, %swap3A_425] {strides = array<i32>} : memref<32x512xf32, #tpu.memory_space<vmem>>, vector<16xf32>,
        tpu.vector_store %arg8[%swap3A_424, %swap3A_425], %gather3A_240 {strides = array<i32>} : memref<32x512xf32, #tpu.memory_space<vmem>>, vector<16xf32>,
        %mul3A_427 = arith.constant 16 : i32
        %mul3A_428 = arith.muli %scan3A_206, %mul3A_427 : i32
        %swap3A_429 = arith.constant 31 : i32
        %swap3A_430 = arith.index_cast %swap3A_429 : i32 to index
        %swap3A_431 = arith.index_cast %mul3A_428 : i32 to index
        %swap3A_432 = tpu.vector_load %arg8[%swap3A_430, %swap3A_431] {strides = array<i32>} : memref<32x512xf32, #tpu.memory_space<vmem>>, vector<16xf32>,
        tpu.vector_store %arg8[%swap3A_430, %swap3A_431], %gather3A_241 {strides = array<i32>} : memref<32x512xf32, #tpu.memory_space<vmem>>, vector<16xf32>,
        %scan3A_433 = arith.constant 0 : i32
        scf.yield %scan3A_433 : i32
      }
      %scan3A_154 = arith.constant 32 : i32
      %add3A_155 = arith.constant 2 : i32
      %add3A_156 = arith.addi %mul3A_140, %add3A_155 : i32
      %lt3A_157 = arith.cmpi slt, %add3A_156, %add3A_4 : i32
      %convert_element_type3A_158 = arith.extui %lt3A_157 : i1 to i32
      %cond3A_159 = arith.constant 0 : i32
      %cond3A_160 = arith.cmpi ne, %convert_element_type3A_158, %cond3A_159 : i32
      scf.if %cond3A_160 {
        %add3A_206 = arith.constant 2 : i32
        %add3A_207 = arith.addi %mul3A_140, %add3A_206 : i32
        %mul3A_208 = arith.constant 32 : i32
        %mul3A_209 = arith.muli %add3A_207, %mul3A_208 : i32
        %add3A_210 = arith.addi %add3A, %mul3A_209 : i32
        %mul3A_211 = arith.constant 512 : i32
        %mul3A_212 = arith.muli %add3A_210, %mul3A_211 : i32
        %dma_start3A_213 = tpu.memref_slice %arg2[%mul3A_212] : memref<1600000xi32, #tpu.memory_space<hbm>> -> memref<512xi32, #tpu.memory_space<hbm>>
        %dma_start3A_214 = tpu.memref_slice %arg2[%mul3A_212] : memref<1600000xi32, #tpu.memory_space<hbm>> -> memref<512xi32, #tpu.memory_space<hbm>>
        tpu.enqueue_dma source(%dma_start3A_214 : memref<512xi32, #tpu.memory_space<hbm>>) target(%arg6 : memref<512xi32, #tpu.memory_space<vmem>>) target_semaphore(%arg10 : memref<!tpu.dma_semaphore, #tpu.memory_space<semaphore_mem>>)
      } else {
      }
      %mul3A_161 = arith.constant 32 : i32
      %mul3A_162 = arith.muli %mul3A_140, %mul3A_161 : i32
      %add3A_163 = arith.addi %add3A, %mul3A_162 : i32
      %mul3A_164 = arith.constant 512 : i32
      %mul3A_165 = arith.muli %add3A_163, %mul3A_164 : i32
      %dma_start3A_166 = arith.constant 0 : i32
      %dma_start3A_167 = tpu.memref_slice %arg4[%dma_start3A_166, %mul3A_165] : memref<32x1600000xf32, #tpu.memory_space<hbm>> -> memref<32x512xf32, #tpu.memory_space<hbm>>
      %dma_start3A_168 = arith.constant 0 : i32
      %dma_start3A_169 = tpu.memref_slice %arg4[%dma_start3A_168, %mul3A_165] : memref<32x1600000xf32, #tpu.memory_space<hbm>> -> memref<32x512xf32, #tpu.memory_space<hbm>>
      tpu.enqueue_dma source(%arg8 : memref<32x512xf32, #tpu.memory_space<vmem>>) target(%dma_start3A_169 : memref<32x512xf32, #tpu.memory_space<hbm>>) target_semaphore(%arg12 : memref<!tpu.dma_semaphore, #tpu.memory_space<semaphore_mem>>)
      %mul3A_170 = arith.constant 2 : i32
      %mul3A_171 = arith.muli %mul3A_170, %while3A_137 : i32
      %add3A_172 = arith.constant 1 : i32
      %add3A_173 = arith.addi %mul3A_171, %add3A_172 : i32
      %dma_wait3A_174 = arith.constant 0 : i32
      %dma_wait3A_175 = tpu.memref_slice %arg2[%dma_wait3A_174] : memref<1600000xi32, #tpu.memory_space<hbm>> -> memref<512xi32, #tpu.memory_space<hbm>>
      %dma_wait3A_176 = arith.constant 0 : i32
      %dma_wait3A_177 = tpu.memref_slice %arg2[%dma_wait3A_176] : memref<1600000xi32, #tpu.memory_space<hbm>> -> memref<512xi32, #tpu.memory_space<hbm>>
      tpu.wait_dma2 semaphore(%arg11 : memref<!tpu.dma_semaphore, #tpu.memory_space<semaphore_mem>>) src(%dma_wait3A_177 : memref<512xi32, #tpu.memory_space<hbm>>) dst(%arg7 : memref<512xi32, #tpu.memory_space<vmem>>)
      %gt3A_178 = arith.constant 0 : i32
      %gt3A_179 = arith.cmpi sgt, %while3A_137, %gt3A_178 : i32
      %convert_element_type3A_180 = arith.extui %gt3A_179 : i1 to i32
      %cond3A_181 = arith.constant 0 : i32
      %cond3A_182 = arith.cmpi ne, %convert_element_type3A_180, %cond3A_181 : i32
      scf.if %cond3A_182 {
        %dma_wait3A_206 = arith.constant 0 : i32
        %dma_wait3A_207 = arith.constant 0 : i32
        %dma_wait3A_208 = tpu.memref_slice %arg4[%dma_wait3A_206, %dma_wait3A_207] : memref<32x1600000xf32, #tpu.memory_space<hbm>> -> memref<32x512xf32, #tpu.memory_space<hbm>>
        %dma_wait3A_209 = arith.constant 0 : i32
        %dma_wait3A_210 = arith.constant 0 : i32
        %dma_wait3A_211 = tpu.memref_slice %arg4[%dma_wait3A_209, %dma_wait3A_210] : memref<32x1600000xf32, #tpu.memory_space<hbm>> -> memref<32x512xf32, #tpu.memory_space<hbm>>
        tpu.wait_dma2 semaphore(%arg13 : memref<!tpu.dma_semaphore, #tpu.memory_space<semaphore_mem>>) src(%arg9 : memref<32x512xf32, #tpu.memory_space<vmem>>) dst(%dma_wait3A_211 : memref<32x512xf32, #tpu.memory_space<hbm>>)
      } else {
      }
      %scan3A_183 = arith.constant 0 : i32
      %scan3A_184 = arith.constant 0 : i32
      %scan3A_185 = arith.constant 32 : i32
      %scan3A_186 = arith.addi %scan3A_184, %scan3A_185 : i32
      %scan3A_187 = arith.constant 1 : i32
      %scan3A_188 = scf.for %scan3A_206 = %scan3A_184 to %scan3A_186 step %scan3A_187 iter_args(%scan3A_207 = %scan3A_183) -> (i32)  : i32 {
        %mul3A_208 = arith.constant 16 : i32
        %mul3A_209 = arith.muli %scan3A_206, %mul3A_208 : i32
        %get3A = arith.index_cast %mul3A_209 : i32 to index
        %get3A_210 = tpu.vector_load %arg7[%get3A] {strides = array<i32>} : memref<512xi32, #tpu.memory_space<vmem>>, vector<16xi32>,
        %gather3A = tpu.vector_load_idx %arg5[%broadcast_in_dim3A_16, %get3A_210] : memref<32x1000xf32, #tpu.memory_space<vmem>>[vector<16xi32>, vector<16xi32>], vector<16xf32>,
        %gather3A_211 = tpu.vector_load_idx %arg5[%broadcast_in_dim3A_18, %get3A_210] : memref<32x1000xf32, #tpu.memory_space<vmem>>[vector<16xi32>, vector<16xi32>], vector<16xf32>,
        %gather3A_212 = tpu.vector_load_idx %arg5[%broadcast_in_dim3A_20, %get3A_210] : memref<32x1000xf32, #tpu.memory_space<vmem>>[vector<16xi32>, vector<16xi32>], vector<16xf32>,
        %gather3A_213 = tpu.vector_load_idx %arg5[%broadcast_in_dim3A_22, %get3A_210] : memref<32x1000xf32, #tpu.memory_space<vmem>>[vector<16xi32>, vector<16xi32>], vector<16xf32>,
        %gather3A_214 = tpu.vector_load_idx %arg5[%broadcast_in_dim3A_24, %get3A_210] : memref<32x1000xf32, #tpu.memory_space<vmem>>[vector<16xi32>, vector<16xi32>], vector<16xf32>,
        %gather3A_215 = tpu.vector_load_idx %arg5[%broadcast_in_dim3A_26, %get3A_210] : memref<32x1000xf32, #tpu.memory_space<vmem>>[vector<16xi32>, vector<16xi32>], vector<16xf32>,
        %gather3A_216 = tpu.vector_load_idx %arg5[%broadcast_in_dim3A_28, %get3A_210] : memref<32x1000xf32, #tpu.memory_space<vmem>>[vector<16xi32>, vector<16xi32>], vector<16xf32>,
        %gather3A_217 = tpu.vector_load_idx %arg5[%broadcast_in_dim3A_30, %get3A_210] : memref<32x1000xf32, #tpu.memory_space<vmem>>[vector<16xi32>, vector<16xi32>], vector<16xf32>,
        %gather3A_218 = tpu.vector_load_idx %arg5[%broadcast_in_dim3A_32, %get3A_210] : memref<32x1000xf32, #tpu.memory_space<vmem>>[vector<16xi32>, vector<16xi32>], vector<16xf32>,
        %gather3A_219 = tpu.vector_load_idx %arg5[%broadcast_in_dim3A_34, %get3A_210] : memref<32x1000xf32, #tpu.memory_space<vmem>>[vector<16xi32>, vector<16xi32>], vector<16xf32>,
        %gather3A_220 = tpu.vector_load_idx %arg5[%broadcast_in_dim3A_36, %get3A_210] : memref<32x1000xf32, #tpu.memory_space<vmem>>[vector<16xi32>, vector<16xi32>], vector<16xf32>,
        %gather3A_221 = tpu.vector_load_idx %arg5[%broadcast_in_dim3A_38, %get3A_210] : memref<32x1000xf32, #tpu.memory_space<vmem>>[vector<16xi32>, vector<16xi32>], vector<16xf32>,
        %gather3A_222 = tpu.vector_load_idx %arg5[%broadcast_in_dim3A_40, %get3A_210] : memref<32x1000xf32, #tpu.memory_space<vmem>>[vector<16xi32>, vector<16xi32>], vector<16xf32>,
        %gather3A_223 = tpu.vector_load_idx %arg5[%broadcast_in_dim3A_42, %get3A_210] : memref<32x1000xf32, #tpu.memory_space<vmem>>[vector<16xi32>, vector<16xi32>], vector<16xf32>,
        %gather3A_224 = tpu.vector_load_idx %arg5[%broadcast_in_dim3A_44, %get3A_210] : memref<32x1000xf32, #tpu.memory_space<vmem>>[vector<16xi32>, vector<16xi32>], vector<16xf32>,
        %gather3A_225 = tpu.vector_load_idx %arg5[%broadcast_in_dim3A_46, %get3A_210] : memref<32x1000xf32, #tpu.memory_space<vmem>>[vector<16xi32>, vector<16xi32>], vector<16xf32>,
        %gather3A_226 = tpu.vector_load_idx %arg5[%broadcast_in_dim3A_48, %get3A_210] : memref<32x1000xf32, #tpu.memory_space<vmem>>[vector<16xi32>, vector<16xi32>], vector<16xf32>,
        %gather3A_227 = tpu.vector_load_idx %arg5[%broadcast_in_dim3A_50, %get3A_210] : memref<32x1000xf32, #tpu.memory_space<vmem>>[vector<16xi32>, vector<16xi32>], vector<16xf32>,
        %gather3A_228 = tpu.vector_load_idx %arg5[%broadcast_in_dim3A_52, %get3A_210] : memref<32x1000xf32, #tpu.memory_space<vmem>>[vector<16xi32>, vector<16xi32>], vector<16xf32>,
        %gather3A_229 = tpu.vector_load_idx %arg5[%broadcast_in_dim3A_54, %get3A_210] : memref<32x1000xf32, #tpu.memory_space<vmem>>[vector<16xi32>, vector<16xi32>], vector<16xf32>,
        %gather3A_230 = tpu.vector_load_idx %arg5[%broadcast_in_dim3A_56, %get3A_210] : memref<32x1000xf32, #tpu.memory_space<vmem>>[vector<16xi32>, vector<16xi32>], vector<16xf32>,
        %gather3A_231 = tpu.vector_load_idx %arg5[%broadcast_in_dim3A_58, %get3A_210] : memref<32x1000xf32, #tpu.memory_space<vmem>>[vector<16xi32>, vector<16xi32>], vector<16xf32>,
        %gather3A_232 = tpu.vector_load_idx %arg5[%broadcast_in_dim3A_60, %get3A_210] : memref<32x1000xf32, #tpu.memory_space<vmem>>[vector<16xi32>, vector<16xi32>], vector<16xf32>,
        %gather3A_233 = tpu.vector_load_idx %arg5[%broadcast_in_dim3A_62, %get3A_210] : memref<32x1000xf32, #tpu.memory_space<vmem>>[vector<16xi32>, vector<16xi32>], vector<16xf32>,
        %gather3A_234 = tpu.vector_load_idx %arg5[%broadcast_in_dim3A_64, %get3A_210] : memref<32x1000xf32, #tpu.memory_space<vmem>>[vector<16xi32>, vector<16xi32>], vector<16xf32>,
        %gather3A_235 = tpu.vector_load_idx %arg5[%broadcast_in_dim3A_66, %get3A_210] : memref<32x1000xf32, #tpu.memory_space<vmem>>[vector<16xi32>, vector<16xi32>], vector<16xf32>,
        %gather3A_236 = tpu.vector_load_idx %arg5[%broadcast_in_dim3A_68, %get3A_210] : memref<32x1000xf32, #tpu.memory_space<vmem>>[vector<16xi32>, vector<16xi32>], vector<16xf32>,
        %gather3A_237 = tpu.vector_load_idx %arg5[%broadcast_in_dim3A_70, %get3A_210] : memref<32x1000xf32, #tpu.memory_space<vmem>>[vector<16xi32>, vector<16xi32>], vector<16xf32>,
        %gather3A_238 = tpu.vector_load_idx %arg5[%broadcast_in_dim3A_72, %get3A_210] : memref<32x1000xf32, #tpu.memory_space<vmem>>[vector<16xi32>, vector<16xi32>], vector<16xf32>,
        %gather3A_239 = tpu.vector_load_idx %arg5[%broadcast_in_dim3A_74, %get3A_210] : memref<32x1000xf32, #tpu.memory_space<vmem>>[vector<16xi32>, vector<16xi32>], vector<16xf32>,
        %gather3A_240 = tpu.vector_load_idx %arg5[%broadcast_in_dim3A_76, %get3A_210] : memref<32x1000xf32, #tpu.memory_space<vmem>>[vector<16xi32>, vector<16xi32>], vector<16xf32>,
        %gather3A_241 = tpu.vector_load_idx %arg5[%broadcast_in_dim3A_78, %get3A_210] : memref<32x1000xf32, #tpu.memory_space<vmem>>[vector<16xi32>, vector<16xi32>], vector<16xf32>,
        %mul3A_242 = arith.constant 16 : i32
        %mul3A_243 = arith.muli %scan3A_206, %mul3A_242 : i32
        %swap3A = arith.constant 0 : i32
        %swap3A_244 = arith.index_cast %swap3A : i32 to index
        %swap3A_245 = arith.index_cast %mul3A_243 : i32 to index
        %swap3A_246 = tpu.vector_load %arg9[%swap3A_244, %swap3A_245] {strides = array<i32>} : memref<32x512xf32, #tpu.memory_space<vmem>>, vector<16xf32>,
        tpu.vector_store %arg9[%swap3A_244, %swap3A_245], %gather3A {strides = array<i32>} : memref<32x512xf32, #tpu.memory_space<vmem>>, vector<16xf32>,
        %mul3A_247 = arith.constant 16 : i32
        %mul3A_248 = arith.muli %scan3A_206, %mul3A_247 : i32
        %swap3A_249 = arith.constant 1 : i32
        %swap3A_250 = arith.index_cast %swap3A_249 : i32 to index
        %swap3A_251 = arith.index_cast %mul3A_248 : i32 to index
        %swap3A_252 = tpu.vector_load %arg9[%swap3A_250, %swap3A_251] {strides = array<i32>} : memref<32x512xf32, #tpu.memory_space<vmem>>, vector<16xf32>,
        tpu.vector_store %arg9[%swap3A_250, %swap3A_251], %gather3A_211 {strides = array<i32>} : memref<32x512xf32, #tpu.memory_space<vmem>>, vector<16xf32>,
        %mul3A_253 = arith.constant 16 : i32
        %mul3A_254 = arith.muli %scan3A_206, %mul3A_253 : i32
        %swap3A_255 = arith.constant 2 : i32
        %swap3A_256 = arith.index_cast %swap3A_255 : i32 to index
        %swap3A_257 = arith.index_cast %mul3A_254 : i32 to index
        %swap3A_258 = tpu.vector_load %arg9[%swap3A_256, %swap3A_257] {strides = array<i32>} : memref<32x512xf32, #tpu.memory_space<vmem>>, vector<16xf32>,
        tpu.vector_store %arg9[%swap3A_256, %swap3A_257], %gather3A_212 {strides = array<i32>} : memref<32x512xf32, #tpu.memory_space<vmem>>, vector<16xf32>,
        %mul3A_259 = arith.constant 16 : i32
        %mul3A_260 = arith.muli %scan3A_206, %mul3A_259 : i32
        %swap3A_261 = arith.constant 3 : i32
        %swap3A_262 = arith.index_cast %swap3A_261 : i32 to index
        %swap3A_263 = arith.index_cast %mul3A_260 : i32 to index
        %swap3A_264 = tpu.vector_load %arg9[%swap3A_262, %swap3A_263] {strides = array<i32>} : memref<32x512xf32, #tpu.memory_space<vmem>>, vector<16xf32>,
        tpu.vector_store %arg9[%swap3A_262, %swap3A_263], %gather3A_213 {strides = array<i32>} : memref<32x512xf32, #tpu.memory_space<vmem>>, vector<16xf32>,
        %mul3A_265 = arith.constant 16 : i32
        %mul3A_266 = arith.muli %scan3A_206, %mul3A_265 : i32
        %swap3A_267 = arith.constant 4 : i32
        %swap3A_268 = arith.index_cast %swap3A_267 : i32 to index
        %swap3A_269 = arith.index_cast %mul3A_266 : i32 to index
        %swap3A_270 = tpu.vector_load %arg9[%swap3A_268, %swap3A_269] {strides = array<i32>} : memref<32x512xf32, #tpu.memory_space<vmem>>, vector<16xf32>,
        tpu.vector_store %arg9[%swap3A_268, %swap3A_269], %gather3A_214 {strides = array<i32>} : memref<32x512xf32, #tpu.memory_space<vmem>>, vector<16xf32>,
        %mul3A_271 = arith.constant 16 : i32
        %mul3A_272 = arith.muli %scan3A_206, %mul3A_271 : i32
        %swap3A_273 = arith.constant 5 : i32
        %swap3A_274 = arith.index_cast %swap3A_273 : i32 to index
        %swap3A_275 = arith.index_cast %mul3A_272 : i32 to index
        %swap3A_276 = tpu.vector_load %arg9[%swap3A_274, %swap3A_275] {strides = array<i32>} : memref<32x512xf32, #tpu.memory_space<vmem>>, vector<16xf32>,
        tpu.vector_store %arg9[%swap3A_274, %swap3A_275], %gather3A_215 {strides = array<i32>} : memref<32x512xf32, #tpu.memory_space<vmem>>, vector<16xf32>,
        %mul3A_277 = arith.constant 16 : i32
        %mul3A_278 = arith.muli %scan3A_206, %mul3A_277 : i32
        %swap3A_279 = arith.constant 6 : i32
        %swap3A_280 = arith.index_cast %swap3A_279 : i32 to index
        %swap3A_281 = arith.index_cast %mul3A_278 : i32 to index
        %swap3A_282 = tpu.vector_load %arg9[%swap3A_280, %swap3A_281] {strides = array<i32>} : memref<32x512xf32, #tpu.memory_space<vmem>>, vector<16xf32>,
        tpu.vector_store %arg9[%swap3A_280, %swap3A_281], %gather3A_216 {strides = array<i32>} : memref<32x512xf32, #tpu.memory_space<vmem>>, vector<16xf32>,
        %mul3A_283 = arith.constant 16 : i32
        %mul3A_284 = arith.muli %scan3A_206, %mul3A_283 : i32
        %swap3A_285 = arith.constant 7 : i32
        %swap3A_286 = arith.index_cast %swap3A_285 : i32 to index
        %swap3A_287 = arith.index_cast %mul3A_284 : i32 to index
        %swap3A_288 = tpu.vector_load %arg9[%swap3A_286, %swap3A_287] {strides = array<i32>} : memref<32x512xf32, #tpu.memory_space<vmem>>, vector<16xf32>,
        tpu.vector_store %arg9[%swap3A_286, %swap3A_287], %gather3A_217 {strides = array<i32>} : memref<32x512xf32, #tpu.memory_space<vmem>>, vector<16xf32>,
        %mul3A_289 = arith.constant 16 : i32
        %mul3A_290 = arith.muli %scan3A_206, %mul3A_289 : i32
        %swap3A_291 = arith.constant 8 : i32
        %swap3A_292 = arith.index_cast %swap3A_291 : i32 to index
        %swap3A_293 = arith.index_cast %mul3A_290 : i32 to index
        %swap3A_294 = tpu.vector_load %arg9[%swap3A_292, %swap3A_293] {strides = array<i32>} : memref<32x512xf32, #tpu.memory_space<vmem>>, vector<16xf32>,
        tpu.vector_store %arg9[%swap3A_292, %swap3A_293], %gather3A_218 {strides = array<i32>} : memref<32x512xf32, #tpu.memory_space<vmem>>, vector<16xf32>,
        %mul3A_295 = arith.constant 16 : i32
        %mul3A_296 = arith.muli %scan3A_206, %mul3A_295 : i32
        %swap3A_297 = arith.constant 9 : i32
        %swap3A_298 = arith.index_cast %swap3A_297 : i32 to index
        %swap3A_299 = arith.index_cast %mul3A_296 : i32 to index
        %swap3A_300 = tpu.vector_load %arg9[%swap3A_298, %swap3A_299] {strides = array<i32>} : memref<32x512xf32, #tpu.memory_space<vmem>>, vector<16xf32>,
        tpu.vector_store %arg9[%swap3A_298, %swap3A_299], %gather3A_219 {strides = array<i32>} : memref<32x512xf32, #tpu.memory_space<vmem>>, vector<16xf32>,
        %mul3A_301 = arith.constant 16 : i32
        %mul3A_302 = arith.muli %scan3A_206, %mul3A_301 : i32
        %swap3A_303 = arith.constant 10 : i32
        %swap3A_304 = arith.index_cast %swap3A_303 : i32 to index
        %swap3A_305 = arith.index_cast %mul3A_302 : i32 to index
        %swap3A_306 = tpu.vector_load %arg9[%swap3A_304, %swap3A_305] {strides = array<i32>} : memref<32x512xf32, #tpu.memory_space<vmem>>, vector<16xf32>,
        tpu.vector_store %arg9[%swap3A_304, %swap3A_305], %gather3A_220 {strides = array<i32>} : memref<32x512xf32, #tpu.memory_space<vmem>>, vector<16xf32>,
        %mul3A_307 = arith.constant 16 : i32
        %mul3A_308 = arith.muli %scan3A_206, %mul3A_307 : i32
        %swap3A_309 = arith.constant 11 : i32
        %swap3A_310 = arith.index_cast %swap3A_309 : i32 to index
        %swap3A_311 = arith.index_cast %mul3A_308 : i32 to index
        %swap3A_312 = tpu.vector_load %arg9[%swap3A_310, %swap3A_311] {strides = array<i32>} : memref<32x512xf32, #tpu.memory_space<vmem>>, vector<16xf32>,
        tpu.vector_store %arg9[%swap3A_310, %swap3A_311], %gather3A_221 {strides = array<i32>} : memref<32x512xf32, #tpu.memory_space<vmem>>, vector<16xf32>,
        %mul3A_313 = arith.constant 16 : i32
        %mul3A_314 = arith.muli %scan3A_206, %mul3A_313 : i32
        %swap3A_315 = arith.constant 12 : i32
        %swap3A_316 = arith.index_cast %swap3A_315 : i32 to index
        %swap3A_317 = arith.index_cast %mul3A_314 : i32 to index
        %swap3A_318 = tpu.vector_load %arg9[%swap3A_316, %swap3A_317] {strides = array<i32>} : memref<32x512xf32, #tpu.memory_space<vmem>>, vector<16xf32>,
        tpu.vector_store %arg9[%swap3A_316, %swap3A_317], %gather3A_222 {strides = array<i32>} : memref<32x512xf32, #tpu.memory_space<vmem>>, vector<16xf32>,
        %mul3A_319 = arith.constant 16 : i32
        %mul3A_320 = arith.muli %scan3A_206, %mul3A_319 : i32
        %swap3A_321 = arith.constant 13 : i32
        %swap3A_322 = arith.index_cast %swap3A_321 : i32 to index
        %swap3A_323 = arith.index_cast %mul3A_320 : i32 to index
        %swap3A_324 = tpu.vector_load %arg9[%swap3A_322, %swap3A_323] {strides = array<i32>} : memref<32x512xf32, #tpu.memory_space<vmem>>, vector<16xf32>,
        tpu.vector_store %arg9[%swap3A_322, %swap3A_323], %gather3A_223 {strides = array<i32>} : memref<32x512xf32, #tpu.memory_space<vmem>>, vector<16xf32>,
        %mul3A_325 = arith.constant 16 : i32
        %mul3A_326 = arith.muli %scan3A_206, %mul3A_325 : i32
        %swap3A_327 = arith.constant 14 : i32
        %swap3A_328 = arith.index_cast %swap3A_327 : i32 to index
        %swap3A_329 = arith.index_cast %mul3A_326 : i32 to index
        %swap3A_330 = tpu.vector_load %arg9[%swap3A_328, %swap3A_329] {strides = array<i32>} : memref<32x512xf32, #tpu.memory_space<vmem>>, vector<16xf32>,
        tpu.vector_store %arg9[%swap3A_328, %swap3A_329], %gather3A_224 {strides = array<i32>} : memref<32x512xf32, #tpu.memory_space<vmem>>, vector<16xf32>,
        %mul3A_331 = arith.constant 16 : i32
        %mul3A_332 = arith.muli %scan3A_206, %mul3A_331 : i32
        %swap3A_333 = arith.constant 15 : i32
        %swap3A_334 = arith.index_cast %swap3A_333 : i32 to index
        %swap3A_335 = arith.index_cast %mul3A_332 : i32 to index
        %swap3A_336 = tpu.vector_load %arg9[%swap3A_334, %swap3A_335] {strides = array<i32>} : memref<32x512xf32, #tpu.memory_space<vmem>>, vector<16xf32>,
        tpu.vector_store %arg9[%swap3A_334, %swap3A_335], %gather3A_225 {strides = array<i32>} : memref<32x512xf32, #tpu.memory_space<vmem>>, vector<16xf32>,
        %mul3A_337 = arith.constant 16 : i32
        %mul3A_338 = arith.muli %scan3A_206, %mul3A_337 : i32
        %swap3A_339 = arith.constant 16 : i32
        %swap3A_340 = arith.index_cast %swap3A_339 : i32 to index
        %swap3A_341 = arith.index_cast %mul3A_338 : i32 to index
        %swap3A_342 = tpu.vector_load %arg9[%swap3A_340, %swap3A_341] {strides = array<i32>} : memref<32x512xf32, #tpu.memory_space<vmem>>, vector<16xf32>,
        tpu.vector_store %arg9[%swap3A_340, %swap3A_341], %gather3A_226 {strides = array<i32>} : memref<32x512xf32, #tpu.memory_space<vmem>>, vector<16xf32>,
        %mul3A_343 = arith.constant 16 : i32
        %mul3A_344 = arith.muli %scan3A_206, %mul3A_343 : i32
        %swap3A_345 = arith.constant 17 : i32
        %swap3A_346 = arith.index_cast %swap3A_345 : i32 to index
        %swap3A_347 = arith.index_cast %mul3A_344 : i32 to index
        %swap3A_348 = tpu.vector_load %arg9[%swap3A_346, %swap3A_347] {strides = array<i32>} : memref<32x512xf32, #tpu.memory_space<vmem>>, vector<16xf32>,
        tpu.vector_store %arg9[%swap3A_346, %swap3A_347], %gather3A_227 {strides = array<i32>} : memref<32x512xf32, #tpu.memory_space<vmem>>, vector<16xf32>,
        %mul3A_349 = arith.constant 16 : i32
        %mul3A_350 = arith.muli %scan3A_206, %mul3A_349 : i32
        %swap3A_351 = arith.constant 18 : i32
        %swap3A_352 = arith.index_cast %swap3A_351 : i32 to index
        %swap3A_353 = arith.index_cast %mul3A_350 : i32 to index
        %swap3A_354 = tpu.vector_load %arg9[%swap3A_352, %swap3A_353] {strides = array<i32>} : memref<32x512xf32, #tpu.memory_space<vmem>>, vector<16xf32>,
        tpu.vector_store %arg9[%swap3A_352, %swap3A_353], %gather3A_228 {strides = array<i32>} : memref<32x512xf32, #tpu.memory_space<vmem>>, vector<16xf32>,
        %mul3A_355 = arith.constant 16 : i32
        %mul3A_356 = arith.muli %scan3A_206, %mul3A_355 : i32
        %swap3A_357 = arith.constant 19 : i32
        %swap3A_358 = arith.index_cast %swap3A_357 : i32 to index
        %swap3A_359 = arith.index_cast %mul3A_356 : i32 to index
        %swap3A_360 = tpu.vector_load %arg9[%swap3A_358, %swap3A_359] {strides = array<i32>} : memref<32x512xf32, #tpu.memory_space<vmem>>, vector<16xf32>,
        tpu.vector_store %arg9[%swap3A_358, %swap3A_359], %gather3A_229 {strides = array<i32>} : memref<32x512xf32, #tpu.memory_space<vmem>>, vector<16xf32>,
        %mul3A_361 = arith.constant 16 : i32
        %mul3A_362 = arith.muli %scan3A_206, %mul3A_361 : i32
        %swap3A_363 = arith.constant 20 : i32
        %swap3A_364 = arith.index_cast %swap3A_363 : i32 to index
        %swap3A_365 = arith.index_cast %mul3A_362 : i32 to index
        %swap3A_366 = tpu.vector_load %arg9[%swap3A_364, %swap3A_365] {strides = array<i32>} : memref<32x512xf32, #tpu.memory_space<vmem>>, vector<16xf32>,
        tpu.vector_store %arg9[%swap3A_364, %swap3A_365], %gather3A_230 {strides = array<i32>} : memref<32x512xf32, #tpu.memory_space<vmem>>, vector<16xf32>,
        %mul3A_367 = arith.constant 16 : i32
        %mul3A_368 = arith.muli %scan3A_206, %mul3A_367 : i32
        %swap3A_369 = arith.constant 21 : i32
        %swap3A_370 = arith.index_cast %swap3A_369 : i32 to index
        %swap3A_371 = arith.index_cast %mul3A_368 : i32 to index
        %swap3A_372 = tpu.vector_load %arg9[%swap3A_370, %swap3A_371] {strides = array<i32>} : memref<32x512xf32, #tpu.memory_space<vmem>>, vector<16xf32>,
        tpu.vector_store %arg9[%swap3A_370, %swap3A_371], %gather3A_231 {strides = array<i32>} : memref<32x512xf32, #tpu.memory_space<vmem>>, vector<16xf32>,
        %mul3A_373 = arith.constant 16 : i32
        %mul3A_374 = arith.muli %scan3A_206, %mul3A_373 : i32
        %swap3A_375 = arith.constant 22 : i32
        %swap3A_376 = arith.index_cast %swap3A_375 : i32 to index
        %swap3A_377 = arith.index_cast %mul3A_374 : i32 to index
        %swap3A_378 = tpu.vector_load %arg9[%swap3A_376, %swap3A_377] {strides = array<i32>} : memref<32x512xf32, #tpu.memory_space<vmem>>, vector<16xf32>,
        tpu.vector_store %arg9[%swap3A_376, %swap3A_377], %gather3A_232 {strides = array<i32>} : memref<32x512xf32, #tpu.memory_space<vmem>>, vector<16xf32>,
        %mul3A_379 = arith.constant 16 : i32
        %mul3A_380 = arith.muli %scan3A_206, %mul3A_379 : i32
        %swap3A_381 = arith.constant 23 : i32
        %swap3A_382 = arith.index_cast %swap3A_381 : i32 to index
        %swap3A_383 = arith.index_cast %mul3A_380 : i32 to index
        %swap3A_384 = tpu.vector_load %arg9[%swap3A_382, %swap3A_383] {strides = array<i32>} : memref<32x512xf32, #tpu.memory_space<vmem>>, vector<16xf32>,
        tpu.vector_store %arg9[%swap3A_382, %swap3A_383], %gather3A_233 {strides = array<i32>} : memref<32x512xf32, #tpu.memory_space<vmem>>, vector<16xf32>,
        %mul3A_385 = arith.constant 16 : i32
        %mul3A_386 = arith.muli %scan3A_206, %mul3A_385 : i32
        %swap3A_387 = arith.constant 24 : i32
        %swap3A_388 = arith.index_cast %swap3A_387 : i32 to index
        %swap3A_389 = arith.index_cast %mul3A_386 : i32 to index
        %swap3A_390 = tpu.vector_load %arg9[%swap3A_388, %swap3A_389] {strides = array<i32>} : memref<32x512xf32, #tpu.memory_space<vmem>>, vector<16xf32>,
        tpu.vector_store %arg9[%swap3A_388, %swap3A_389], %gather3A_234 {strides = array<i32>} : memref<32x512xf32, #tpu.memory_space<vmem>>, vector<16xf32>,
        %mul3A_391 = arith.constant 16 : i32
        %mul3A_392 = arith.muli %scan3A_206, %mul3A_391 : i32
        %swap3A_393 = arith.constant 25 : i32
        %swap3A_394 = arith.index_cast %swap3A_393 : i32 to index
        %swap3A_395 = arith.index_cast %mul3A_392 : i32 to index
        %swap3A_396 = tpu.vector_load %arg9[%swap3A_394, %swap3A_395] {strides = array<i32>} : memref<32x512xf32, #tpu.memory_space<vmem>>, vector<16xf32>,
        tpu.vector_store %arg9[%swap3A_394, %swap3A_395], %gather3A_235 {strides = array<i32>} : memref<32x512xf32, #tpu.memory_space<vmem>>, vector<16xf32>,
        %mul3A_397 = arith.constant 16 : i32
        %mul3A_398 = arith.muli %scan3A_206, %mul3A_397 : i32
        %swap3A_399 = arith.constant 26 : i32
        %swap3A_400 = arith.index_cast %swap3A_399 : i32 to index
        %swap3A_401 = arith.index_cast %mul3A_398 : i32 to index
        %swap3A_402 = tpu.vector_load %arg9[%swap3A_400, %swap3A_401] {strides = array<i32>} : memref<32x512xf32, #tpu.memory_space<vmem>>, vector<16xf32>,
        tpu.vector_store %arg9[%swap3A_400, %swap3A_401], %gather3A_236 {strides = array<i32>} : memref<32x512xf32, #tpu.memory_space<vmem>>, vector<16xf32>,
        %mul3A_403 = arith.constant 16 : i32
        %mul3A_404 = arith.muli %scan3A_206, %mul3A_403 : i32
        %swap3A_405 = arith.constant 27 : i32
        %swap3A_406 = arith.index_cast %swap3A_405 : i32 to index
        %swap3A_407 = arith.index_cast %mul3A_404 : i32 to index
        %swap3A_408 = tpu.vector_load %arg9[%swap3A_406, %swap3A_407] {strides = array<i32>} : memref<32x512xf32, #tpu.memory_space<vmem>>, vector<16xf32>,
        tpu.vector_store %arg9[%swap3A_406, %swap3A_407], %gather3A_237 {strides = array<i32>} : memref<32x512xf32, #tpu.memory_space<vmem>>, vector<16xf32>,
        %mul3A_409 = arith.constant 16 : i32
        %mul3A_410 = arith.muli %scan3A_206, %mul3A_409 : i32
        %swap3A_411 = arith.constant 28 : i32
        %swap3A_412 = arith.index_cast %swap3A_411 : i32 to index
        %swap3A_413 = arith.index_cast %mul3A_410 : i32 to index
        %swap3A_414 = tpu.vector_load %arg9[%swap3A_412, %swap3A_413] {strides = array<i32>} : memref<32x512xf32, #tpu.memory_space<vmem>>, vector<16xf32>,
        tpu.vector_store %arg9[%swap3A_412, %swap3A_413], %gather3A_238 {strides = array<i32>} : memref<32x512xf32, #tpu.memory_space<vmem>>, vector<16xf32>,
        %mul3A_415 = arith.constant 16 : i32
        %mul3A_416 = arith.muli %scan3A_206, %mul3A_415 : i32
        %swap3A_417 = arith.constant 29 : i32
        %swap3A_418 = arith.index_cast %swap3A_417 : i32 to index
        %swap3A_419 = arith.index_cast %mul3A_416 : i32 to index
        %swap3A_420 = tpu.vector_load %arg9[%swap3A_418, %swap3A_419] {strides = array<i32>} : memref<32x512xf32, #tpu.memory_space<vmem>>, vector<16xf32>,
        tpu.vector_store %arg9[%swap3A_418, %swap3A_419], %gather3A_239 {strides = array<i32>} : memref<32x512xf32, #tpu.memory_space<vmem>>, vector<16xf32>,
        %mul3A_421 = arith.constant 16 : i32
        %mul3A_422 = arith.muli %scan3A_206, %mul3A_421 : i32
        %swap3A_423 = arith.constant 30 : i32
        %swap3A_424 = arith.index_cast %swap3A_423 : i32 to index
        %swap3A_425 = arith.index_cast %mul3A_422 : i32 to index
        %swap3A_426 = tpu.vector_load %arg9[%swap3A_424, %swap3A_425] {strides = array<i32>} : memref<32x512xf32, #tpu.memory_space<vmem>>, vector<16xf32>,
        tpu.vector_store %arg9[%swap3A_424, %swap3A_425], %gather3A_240 {strides = array<i32>} : memref<32x512xf32, #tpu.memory_space<vmem>>, vector<16xf32>,
        %mul3A_427 = arith.constant 16 : i32
        %mul3A_428 = arith.muli %scan3A_206, %mul3A_427 : i32
        %swap3A_429 = arith.constant 31 : i32
        %swap3A_430 = arith.index_cast %swap3A_429 : i32 to index
        %swap3A_431 = arith.index_cast %mul3A_428 : i32 to index
        %swap3A_432 = tpu.vector_load %arg9[%swap3A_430, %swap3A_431] {strides = array<i32>} : memref<32x512xf32, #tpu.memory_space<vmem>>, vector<16xf32>,
        tpu.vector_store %arg9[%swap3A_430, %swap3A_431], %gather3A_241 {strides = array<i32>} : memref<32x512xf32, #tpu.memory_space<vmem>>, vector<16xf32>,
        %scan3A_433 = arith.constant 0 : i32
        scf.yield %scan3A_433 : i32
      }
      %scan3A_189 = arith.constant 32 : i32
      %add3A_190 = arith.constant 2 : i32
      %add3A_191 = arith.addi %add3A_173, %add3A_190 : i32
      %lt3A_192 = arith.cmpi slt, %add3A_191, %add3A_4 : i32
      %convert_element_type3A_193 = arith.extui %lt3A_192 : i1 to i32
      %cond3A_194 = arith.constant 0 : i32
      %cond3A_195 = arith.cmpi ne, %convert_element_type3A_193, %cond3A_194 : i32
      scf.if %cond3A_195 {
        %add3A_206 = arith.constant 2 : i32
        %add3A_207 = arith.addi %add3A_173, %add3A_206 : i32
        %mul3A_208 = arith.constant 32 : i32
        %mul3A_209 = arith.muli %add3A_207, %mul3A_208 : i32
        %add3A_210 = arith.addi %add3A, %mul3A_209 : i32
        %mul3A_211 = arith.constant 512 : i32
        %mul3A_212 = arith.muli %add3A_210, %mul3A_211 : i32
        %dma_start3A_213 = tpu.memref_slice %arg2[%mul3A_212] : memref<1600000xi32, #tpu.memory_space<hbm>> -> memref<512xi32, #tpu.memory_space<hbm>>
        %dma_start3A_214 = tpu.memref_slice %arg2[%mul3A_212] : memref<1600000xi32, #tpu.memory_space<hbm>> -> memref<512xi32, #tpu.memory_space<hbm>>
        tpu.enqueue_dma source(%dma_start3A_214 : memref<512xi32, #tpu.memory_space<hbm>>) target(%arg7 : memref<512xi32, #tpu.memory_space<vmem>>) target_semaphore(%arg11 : memref<!tpu.dma_semaphore, #tpu.memory_space<semaphore_mem>>)
      } else {
      }
      %mul3A_196 = arith.constant 32 : i32
      %mul3A_197 = arith.muli %add3A_173, %mul3A_196 : i32
      %add3A_198 = arith.addi %add3A, %mul3A_197 : i32
      %mul3A_199 = arith.constant 512 : i32
      %mul3A_200 = arith.muli %add3A_198, %mul3A_199 : i32
      %dma_start3A_201 = arith.constant 0 : i32
      %dma_start3A_202 = tpu.memref_slice %arg4[%dma_start3A_201, %mul3A_200] : memref<32x1600000xf32, #tpu.memory_space<hbm>> -> memref<32x512xf32, #tpu.memory_space<hbm>>
      %dma_start3A_203 = arith.constant 0 : i32
      %dma_start3A_204 = tpu.memref_slice %arg4[%dma_start3A_203, %mul3A_200] : memref<32x1600000xf32, #tpu.memory_space<hbm>> -> memref<32x512xf32, #tpu.memory_space<hbm>>
      tpu.enqueue_dma source(%arg9 : memref<32x512xf32, #tpu.memory_space<vmem>>) target(%dma_start3A_204 : memref<32x512xf32, #tpu.memory_space<hbm>>) target_semaphore(%arg13 : memref<!tpu.dma_semaphore, #tpu.memory_space<semaphore_mem>>)
      %while3A_205 = arith.constant 0 : i32
      scf.yield %while3A_205 : i32
    }
    %jit3A_108 = arith.constant 2 : i32
    %eq3A = arith.constant 0 : i32
    %eq3A_109 = arith.cmpi eq, %jit3A_108, %eq3A : i32
    %jit3A_110 = arith.constant 1 : i32
    %select_n3A_111 = arith.select %eq3A_109, %jit3A_110, %jit3A_108 : i32
    %rem3A_112 = arith.remsi %add3A_4, %select_n3A_111 : i32
    %ne3A_113 = arith.constant 0 : i32
    %ne3A_114 = arith.cmpi ne, %rem3A_112, %ne3A_113 : i32
    %lt3A_115 = arith.constant 0 : i32
    %lt3A_116 = arith.cmpi slt, %rem3A_112, %lt3A_115 : i32
    %lt3A_117 = arith.constant 0 : i32
    %lt3A_118 = arith.cmpi slt, %select_n3A_111, %lt3A_117 : i32
    %ne3A_119 = arith.xori %lt3A_116, %lt3A_118 : i1
    %and3A_120 = arith.andi %ne3A_119, %ne3A_114 : i1
    %add3A_121 = arith.addi %rem3A_112, %select_n3A_111 : i32
    %select_n3A_122 = arith.select %and3A_120, %add3A_121, %rem3A_112 : i32
    %eq3A_123 = arith.constant 1 : i32
    %eq3A_124 = arith.cmpi eq, %select_n3A_122, %eq3A_123 : i32
    %convert_element_type3A = arith.extui %eq3A_124 : i1 to i32
    %cond3A = arith.constant 0 : i32
    %cond3A_125 = arith.cmpi ne, %convert_element_type3A, %cond3A : i32
    scf.if %cond3A_125 {
      %sub3A_137 = arith.constant 1 : i32
      %sub3A_138 = arith.subi %add3A_4, %sub3A_137 : i32
      %jit3A_139 = arith.constant 2 : i32
      %div3A_140 = arith.divsi %add3A_4, %jit3A_139 : i32
      %sign3A_141 = arith.constant 0 : i32
      %sign3A_142 = arith.cmpi sgt, %add3A_4, %sign3A_141 : i32
      %sign3A_143 = arith.extui %sign3A_142 : i1 to i32
      %sign3A_144 = arith.constant 0 : i32
      %sign3A_145 = arith.cmpi slt, %add3A_4, %sign3A_144 : i32
      %sign3A_146 = arith.extui %sign3A_145 : i1 to i32
      %sign3A_147 = arith.subi %sign3A_143, %sign3A_146 : i32
      %sign3A_148 = arith.constant 0 : i32
      %sign3A_149 = arith.cmpi sgt, %jit3A_139, %sign3A_148 : i32
      %sign3A_150 = arith.extui %sign3A_149 : i1 to i32
      %sign3A_151 = arith.constant 0 : i32
      %sign3A_152 = arith.cmpi slt, %jit3A_139, %sign3A_151 : i32
      %sign3A_153 = arith.extui %sign3A_152 : i1 to i32
      %sign3A_154 = arith.subi %sign3A_150, %sign3A_153 : i32
      %ne3A_155 = arith.cmpi ne, %sign3A_147, %sign3A_154 : i32
      %rem3A_156 = arith.remsi %add3A_4, %jit3A_139 : i32
      %ne3A_157 = arith.constant 0 : i32
      %ne3A_158 = arith.cmpi ne, %rem3A_156, %ne3A_157 : i32
      %and3A_159 = arith.andi %ne3A_155, %ne3A_158 : i1
      %sub3A_160 = arith.constant 1 : i32
      %sub3A_161 = arith.subi %div3A_140, %sub3A_160 : i32
      %select_n3A_162 = arith.select %and3A_159, %sub3A_161, %div3A_140 : i32
      %dma_wait3A_163 = arith.constant 0 : i32
      %dma_wait3A_164 = tpu.memref_slice %arg2[%dma_wait3A_163] : memref<1600000xi32, #tpu.memory_space<hbm>> -> memref<512xi32, #tpu.memory_space<hbm>>
      %dma_wait3A_165 = arith.constant 0 : i32
      %dma_wait3A_166 = tpu.memref_slice %arg2[%dma_wait3A_165] : memref<1600000xi32, #tpu.memory_space<hbm>> -> memref<512xi32, #tpu.memory_space<hbm>>
      tpu.wait_dma2 semaphore(%arg10 : memref<!tpu.dma_semaphore, #tpu.memory_space<semaphore_mem>>) src(%dma_wait3A_166 : memref<512xi32, #tpu.memory_space<hbm>>) dst(%arg6 : memref<512xi32, #tpu.memory_space<vmem>>)
      %gt3A = arith.constant 0 : i32
      %gt3A_167 = arith.cmpi sgt, %select_n3A_162, %gt3A : i32
      %convert_element_type3A_168 = arith.extui %gt3A_167 : i1 to i32
      %cond3A_169 = arith.constant 0 : i32
      %cond3A_170 = arith.cmpi ne, %convert_element_type3A_168, %cond3A_169 : i32
      scf.if %cond3A_170 {
        %dma_wait3A_192 = arith.constant 0 : i32
        %dma_wait3A_193 = arith.constant 0 : i32
        %dma_wait3A_194 = tpu.memref_slice %arg4[%dma_wait3A_192, %dma_wait3A_193] : memref<32x1600000xf32, #tpu.memory_space<hbm>> -> memref<32x512xf32, #tpu.memory_space<hbm>>
        %dma_wait3A_195 = arith.constant 0 : i32
        %dma_wait3A_196 = arith.constant 0 : i32
        %dma_wait3A_197 = tpu.memref_slice %arg4[%dma_wait3A_195, %dma_wait3A_196] : memref<32x1600000xf32, #tpu.memory_space<hbm>> -> memref<32x512xf32, #tpu.memory_space<hbm>>
        tpu.wait_dma2 semaphore(%arg12 : memref<!tpu.dma_semaphore, #tpu.memory_space<semaphore_mem>>) src(%arg8 : memref<32x512xf32, #tpu.memory_space<vmem>>) dst(%dma_wait3A_197 : memref<32x512xf32, #tpu.memory_space<hbm>>)
      } else {
      }
      %scan3A = arith.constant 0 : i32
      %scan3A_171 = arith.constant 0 : i32
      %scan3A_172 = arith.constant 32 : i32
      %scan3A_173 = arith.addi %scan3A_171, %scan3A_172 : i32
      %scan3A_174 = arith.constant 1 : i32
      %scan3A_175 = scf.for %scan3A_192 = %scan3A_171 to %scan3A_173 step %scan3A_174 iter_args(%scan3A_193 = %scan3A) -> (i32)  : i32 {
        %mul3A_194 = arith.constant 16 : i32
        %mul3A_195 = arith.muli %scan3A_192, %mul3A_194 : i32
        %get3A = arith.index_cast %mul3A_195 : i32 to index
        %get3A_196 = tpu.vector_load %arg6[%get3A] {strides = array<i32>} : memref<512xi32, #tpu.memory_space<vmem>>, vector<16xi32>,
        %gather3A = tpu.vector_load_idx %arg5[%broadcast_in_dim3A_16, %get3A_196] : memref<32x1000xf32, #tpu.memory_space<vmem>>[vector<16xi32>, vector<16xi32>], vector<16xf32>,
        %gather3A_197 = tpu.vector_load_idx %arg5[%broadcast_in_dim3A_18, %get3A_196] : memref<32x1000xf32, #tpu.memory_space<vmem>>[vector<16xi32>, vector<16xi32>], vector<16xf32>,
        %gather3A_198 = tpu.vector_load_idx %arg5[%broadcast_in_dim3A_20, %get3A_196] : memref<32x1000xf32, #tpu.memory_space<vmem>>[vector<16xi32>, vector<16xi32>], vector<16xf32>,
        %gather3A_199 = tpu.vector_load_idx %arg5[%broadcast_in_dim3A_22, %get3A_196] : memref<32x1000xf32, #tpu.memory_space<vmem>>[vector<16xi32>, vector<16xi32>], vector<16xf32>,
        %gather3A_200 = tpu.vector_load_idx %arg5[%broadcast_in_dim3A_24, %get3A_196] : memref<32x1000xf32, #tpu.memory_space<vmem>>[vector<16xi32>, vector<16xi32>], vector<16xf32>,
        %gather3A_201 = tpu.vector_load_idx %arg5[%broadcast_in_dim3A_26, %get3A_196] : memref<32x1000xf32, #tpu.memory_space<vmem>>[vector<16xi32>, vector<16xi32>], vector<16xf32>,
        %gather3A_202 = tpu.vector_load_idx %arg5[%broadcast_in_dim3A_28, %get3A_196] : memref<32x1000xf32, #tpu.memory_space<vmem>>[vector<16xi32>, vector<16xi32>], vector<16xf32>,
        %gather3A_203 = tpu.vector_load_idx %arg5[%broadcast_in_dim3A_30, %get3A_196] : memref<32x1000xf32, #tpu.memory_space<vmem>>[vector<16xi32>, vector<16xi32>], vector<16xf32>,
        %gather3A_204 = tpu.vector_load_idx %arg5[%broadcast_in_dim3A_32, %get3A_196] : memref<32x1000xf32, #tpu.memory_space<vmem>>[vector<16xi32>, vector<16xi32>], vector<16xf32>,
        %gather3A_205 = tpu.vector_load_idx %arg5[%broadcast_in_dim3A_34, %get3A_196] : memref<32x1000xf32, #tpu.memory_space<vmem>>[vector<16xi32>, vector<16xi32>], vector<16xf32>,
        %gather3A_206 = tpu.vector_load_idx %arg5[%broadcast_in_dim3A_36, %get3A_196] : memref<32x1000xf32, #tpu.memory_space<vmem>>[vector<16xi32>, vector<16xi32>], vector<16xf32>,
        %gather3A_207 = tpu.vector_load_idx %arg5[%broadcast_in_dim3A_38, %get3A_196] : memref<32x1000xf32, #tpu.memory_space<vmem>>[vector<16xi32>, vector<16xi32>], vector<16xf32>,
        %gather3A_208 = tpu.vector_load_idx %arg5[%broadcast_in_dim3A_40, %get3A_196] : memref<32x1000xf32, #tpu.memory_space<vmem>>[vector<16xi32>, vector<16xi32>], vector<16xf32>,
        %gather3A_209 = tpu.vector_load_idx %arg5[%broadcast_in_dim3A_42, %get3A_196] : memref<32x1000xf32, #tpu.memory_space<vmem>>[vector<16xi32>, vector<16xi32>], vector<16xf32>,
        %gather3A_210 = tpu.vector_load_idx %arg5[%broadcast_in_dim3A_44, %get3A_196] : memref<32x1000xf32, #tpu.memory_space<vmem>>[vector<16xi32>, vector<16xi32>], vector<16xf32>,
        %gather3A_211 = tpu.vector_load_idx %arg5[%broadcast_in_dim3A_46, %get3A_196] : memref<32x1000xf32, #tpu.memory_space<vmem>>[vector<16xi32>, vector<16xi32>], vector<16xf32>,
        %gather3A_212 = tpu.vector_load_idx %arg5[%broadcast_in_dim3A_48, %get3A_196] : memref<32x1000xf32, #tpu.memory_space<vmem>>[vector<16xi32>, vector<16xi32>], vector<16xf32>,
        %gather3A_213 = tpu.vector_load_idx %arg5[%broadcast_in_dim3A_50, %get3A_196] : memref<32x1000xf32, #tpu.memory_space<vmem>>[vector<16xi32>, vector<16xi32>], vector<16xf32>,
        %gather3A_214 = tpu.vector_load_idx %arg5[%broadcast_in_dim3A_52, %get3A_196] : memref<32x1000xf32, #tpu.memory_space<vmem>>[vector<16xi32>, vector<16xi32>], vector<16xf32>,
        %gather3A_215 = tpu.vector_load_idx %arg5[%broadcast_in_dim3A_54, %get3A_196] : memref<32x1000xf32, #tpu.memory_space<vmem>>[vector<16xi32>, vector<16xi32>], vector<16xf32>,
        %gather3A_216 = tpu.vector_load_idx %arg5[%broadcast_in_dim3A_56, %get3A_196] : memref<32x1000xf32, #tpu.memory_space<vmem>>[vector<16xi32>, vector<16xi32>], vector<16xf32>,
        %gather3A_217 = tpu.vector_load_idx %arg5[%broadcast_in_dim3A_58, %get3A_196] : memref<32x1000xf32, #tpu.memory_space<vmem>>[vector<16xi32>, vector<16xi32>], vector<16xf32>,
        %gather3A_218 = tpu.vector_load_idx %arg5[%broadcast_in_dim3A_60, %get3A_196] : memref<32x1000xf32, #tpu.memory_space<vmem>>[vector<16xi32>, vector<16xi32>], vector<16xf32>,
        %gather3A_219 = tpu.vector_load_idx %arg5[%broadcast_in_dim3A_62, %get3A_196] : memref<32x1000xf32, #tpu.memory_space<vmem>>[vector<16xi32>, vector<16xi32>], vector<16xf32>,
        %gather3A_220 = tpu.vector_load_idx %arg5[%broadcast_in_dim3A_64, %get3A_196] : memref<32x1000xf32, #tpu.memory_space<vmem>>[vector<16xi32>, vector<16xi32>], vector<16xf32>,
        %gather3A_221 = tpu.vector_load_idx %arg5[%broadcast_in_dim3A_66, %get3A_196] : memref<32x1000xf32, #tpu.memory_space<vmem>>[vector<16xi32>, vector<16xi32>], vector<16xf32>,
        %gather3A_222 = tpu.vector_load_idx %arg5[%broadcast_in_dim3A_68, %get3A_196] : memref<32x1000xf32, #tpu.memory_space<vmem>>[vector<16xi32>, vector<16xi32>], vector<16xf32>,
        %gather3A_223 = tpu.vector_load_idx %arg5[%broadcast_in_dim3A_70, %get3A_196] : memref<32x1000xf32, #tpu.memory_space<vmem>>[vector<16xi32>, vector<16xi32>], vector<16xf32>,
        %gather3A_224 = tpu.vector_load_idx %arg5[%broadcast_in_dim3A_72, %get3A_196] : memref<32x1000xf32, #tpu.memory_space<vmem>>[vector<16xi32>, vector<16xi32>], vector<16xf32>,
        %gather3A_225 = tpu.vector_load_idx %arg5[%broadcast_in_dim3A_74, %get3A_196] : memref<32x1000xf32, #tpu.memory_space<vmem>>[vector<16xi32>, vector<16xi32>], vector<16xf32>,
        %gather3A_226 = tpu.vector_load_idx %arg5[%broadcast_in_dim3A_76, %get3A_196] : memref<32x1000xf32, #tpu.memory_space<vmem>>[vector<16xi32>, vector<16xi32>], vector<16xf32>,
        %gather3A_227 = tpu.vector_load_idx %arg5[%broadcast_in_dim3A_78, %get3A_196] : memref<32x1000xf32, #tpu.memory_space<vmem>>[vector<16xi32>, vector<16xi32>], vector<16xf32>,
        %mul3A_228 = arith.constant 16 : i32
        %mul3A_229 = arith.muli %scan3A_192, %mul3A_228 : i32
        %swap3A = arith.constant 0 : i32
        %swap3A_230 = arith.index_cast %swap3A : i32 to index
        %swap3A_231 = arith.index_cast %mul3A_229 : i32 to index
        %swap3A_232 = tpu.vector_load %arg8[%swap3A_230, %swap3A_231] {strides = array<i32>} : memref<32x512xf32, #tpu.memory_space<vmem>>, vector<16xf32>,
        tpu.vector_store %arg8[%swap3A_230, %swap3A_231], %gather3A {strides = array<i32>} : memref<32x512xf32, #tpu.memory_space<vmem>>, vector<16xf32>,
        %mul3A_233 = arith.constant 16 : i32
        %mul3A_234 = arith.muli %scan3A_192, %mul3A_233 : i32
        %swap3A_235 = arith.constant 1 : i32
        %swap3A_236 = arith.index_cast %swap3A_235 : i32 to index
        %swap3A_237 = arith.index_cast %mul3A_234 : i32 to index
        %swap3A_238 = tpu.vector_load %arg8[%swap3A_236, %swap3A_237] {strides = array<i32>} : memref<32x512xf32, #tpu.memory_space<vmem>>, vector<16xf32>,
        tpu.vector_store %arg8[%swap3A_236, %swap3A_237], %gather3A_197 {strides = array<i32>} : memref<32x512xf32, #tpu.memory_space<vmem>>, vector<16xf32>,
        %mul3A_239 = arith.constant 16 : i32
        %mul3A_240 = arith.muli %scan3A_192, %mul3A_239 : i32
        %swap3A_241 = arith.constant 2 : i32
        %swap3A_242 = arith.index_cast %swap3A_241 : i32 to index
        %swap3A_243 = arith.index_cast %mul3A_240 : i32 to index
        %swap3A_244 = tpu.vector_load %arg8[%swap3A_242, %swap3A_243] {strides = array<i32>} : memref<32x512xf32, #tpu.memory_space<vmem>>, vector<16xf32>,
        tpu.vector_store %arg8[%swap3A_242, %swap3A_243], %gather3A_198 {strides = array<i32>} : memref<32x512xf32, #tpu.memory_space<vmem>>, vector<16xf32>,
        %mul3A_245 = arith.constant 16 : i32
        %mul3A_246 = arith.muli %scan3A_192, %mul3A_245 : i32
        %swap3A_247 = arith.constant 3 : i32
        %swap3A_248 = arith.index_cast %swap3A_247 : i32 to index
        %swap3A_249 = arith.index_cast %mul3A_246 : i32 to index
        %swap3A_250 = tpu.vector_load %arg8[%swap3A_248, %swap3A_249] {strides = array<i32>} : memref<32x512xf32, #tpu.memory_space<vmem>>, vector<16xf32>,
        tpu.vector_store %arg8[%swap3A_248, %swap3A_249], %gather3A_199 {strides = array<i32>} : memref<32x512xf32, #tpu.memory_space<vmem>>, vector<16xf32>,
        %mul3A_251 = arith.constant 16 : i32
        %mul3A_252 = arith.muli %scan3A_192, %mul3A_251 : i32
        %swap3A_253 = arith.constant 4 : i32
        %swap3A_254 = arith.index_cast %swap3A_253 : i32 to index
        %swap3A_255 = arith.index_cast %mul3A_252 : i32 to index
        %swap3A_256 = tpu.vector_load %arg8[%swap3A_254, %swap3A_255] {strides = array<i32>} : memref<32x512xf32, #tpu.memory_space<vmem>>, vector<16xf32>,
        tpu.vector_store %arg8[%swap3A_254, %swap3A_255], %gather3A_200 {strides = array<i32>} : memref<32x512xf32, #tpu.memory_space<vmem>>, vector<16xf32>,
        %mul3A_257 = arith.constant 16 : i32
        %mul3A_258 = arith.muli %scan3A_192, %mul3A_257 : i32
        %swap3A_259 = arith.constant 5 : i32
        %swap3A_260 = arith.index_cast %swap3A_259 : i32 to index
        %swap3A_261 = arith.index_cast %mul3A_258 : i32 to index
        %swap3A_262 = tpu.vector_load %arg8[%swap3A_260, %swap3A_261] {strides = array<i32>} : memref<32x512xf32, #tpu.memory_space<vmem>>, vector<16xf32>,
        tpu.vector_store %arg8[%swap3A_260, %swap3A_261], %gather3A_201 {strides = array<i32>} : memref<32x512xf32, #tpu.memory_space<vmem>>, vector<16xf32>,
        %mul3A_263 = arith.constant 16 : i32
        %mul3A_264 = arith.muli %scan3A_192, %mul3A_263 : i32
        %swap3A_265 = arith.constant 6 : i32
        %swap3A_266 = arith.index_cast %swap3A_265 : i32 to index
        %swap3A_267 = arith.index_cast %mul3A_264 : i32 to index
        %swap3A_268 = tpu.vector_load %arg8[%swap3A_266, %swap3A_267] {strides = array<i32>} : memref<32x512xf32, #tpu.memory_space<vmem>>, vector<16xf32>,
        tpu.vector_store %arg8[%swap3A_266, %swap3A_267], %gather3A_202 {strides = array<i32>} : memref<32x512xf32, #tpu.memory_space<vmem>>, vector<16xf32>,
        %mul3A_269 = arith.constant 16 : i32
        %mul3A_270 = arith.muli %scan3A_192, %mul3A_269 : i32
        %swap3A_271 = arith.constant 7 : i32
        %swap3A_272 = arith.index_cast %swap3A_271 : i32 to index
        %swap3A_273 = arith.index_cast %mul3A_270 : i32 to index
        %swap3A_274 = tpu.vector_load %arg8[%swap3A_272, %swap3A_273] {strides = array<i32>} : memref<32x512xf32, #tpu.memory_space<vmem>>, vector<16xf32>,
        tpu.vector_store %arg8[%swap3A_272, %swap3A_273], %gather3A_203 {strides = array<i32>} : memref<32x512xf32, #tpu.memory_space<vmem>>, vector<16xf32>,
        %mul3A_275 = arith.constant 16 : i32
        %mul3A_276 = arith.muli %scan3A_192, %mul3A_275 : i32
        %swap3A_277 = arith.constant 8 : i32
        %swap3A_278 = arith.index_cast %swap3A_277 : i32 to index
        %swap3A_279 = arith.index_cast %mul3A_276 : i32 to index
        %swap3A_280 = tpu.vector_load %arg8[%swap3A_278, %swap3A_279] {strides = array<i32>} : memref<32x512xf32, #tpu.memory_space<vmem>>, vector<16xf32>,
        tpu.vector_store %arg8[%swap3A_278, %swap3A_279], %gather3A_204 {strides = array<i32>} : memref<32x512xf32, #tpu.memory_space<vmem>>, vector<16xf32>,
        %mul3A_281 = arith.constant 16 : i32
        %mul3A_282 = arith.muli %scan3A_192, %mul3A_281 : i32
        %swap3A_283 = arith.constant 9 : i32
        %swap3A_284 = arith.index_cast %swap3A_283 : i32 to index
        %swap3A_285 = arith.index_cast %mul3A_282 : i32 to index
        %swap3A_286 = tpu.vector_load %arg8[%swap3A_284, %swap3A_285] {strides = array<i32>} : memref<32x512xf32, #tpu.memory_space<vmem>>, vector<16xf32>,
        tpu.vector_store %arg8[%swap3A_284, %swap3A_285], %gather3A_205 {strides = array<i32>} : memref<32x512xf32, #tpu.memory_space<vmem>>, vector<16xf32>,
        %mul3A_287 = arith.constant 16 : i32
        %mul3A_288 = arith.muli %scan3A_192, %mul3A_287 : i32
        %swap3A_289 = arith.constant 10 : i32
        %swap3A_290 = arith.index_cast %swap3A_289 : i32 to index
        %swap3A_291 = arith.index_cast %mul3A_288 : i32 to index
        %swap3A_292 = tpu.vector_load %arg8[%swap3A_290, %swap3A_291] {strides = array<i32>} : memref<32x512xf32, #tpu.memory_space<vmem>>, vector<16xf32>,
        tpu.vector_store %arg8[%swap3A_290, %swap3A_291], %gather3A_206 {strides = array<i32>} : memref<32x512xf32, #tpu.memory_space<vmem>>, vector<16xf32>,
        %mul3A_293 = arith.constant 16 : i32
        %mul3A_294 = arith.muli %scan3A_192, %mul3A_293 : i32
        %swap3A_295 = arith.constant 11 : i32
        %swap3A_296 = arith.index_cast %swap3A_295 : i32 to index
        %swap3A_297 = arith.index_cast %mul3A_294 : i32 to index
        %swap3A_298 = tpu.vector_load %arg8[%swap3A_296, %swap3A_297] {strides = array<i32>} : memref<32x512xf32, #tpu.memory_space<vmem>>, vector<16xf32>,
        tpu.vector_store %arg8[%swap3A_296, %swap3A_297], %gather3A_207 {strides = array<i32>} : memref<32x512xf32, #tpu.memory_space<vmem>>, vector<16xf32>,
        %mul3A_299 = arith.constant 16 : i32
        %mul3A_300 = arith.muli %scan3A_192, %mul3A_299 : i32
        %swap3A_301 = arith.constant 12 : i32
        %swap3A_302 = arith.index_cast %swap3A_301 : i32 to index
        %swap3A_303 = arith.index_cast %mul3A_300 : i32 to index
        %swap3A_304 = tpu.vector_load %arg8[%swap3A_302, %swap3A_303] {strides = array<i32>} : memref<32x512xf32, #tpu.memory_space<vmem>>, vector<16xf32>,
        tpu.vector_store %arg8[%swap3A_302, %swap3A_303], %gather3A_208 {strides = array<i32>} : memref<32x512xf32, #tpu.memory_space<vmem>>, vector<16xf32>,
        %mul3A_305 = arith.constant 16 : i32
        %mul3A_306 = arith.muli %scan3A_192, %mul3A_305 : i32
        %swap3A_307 = arith.constant 13 : i32
        %swap3A_308 = arith.index_cast %swap3A_307 : i32 to index
        %swap3A_309 = arith.index_cast %mul3A_306 : i32 to index
        %swap3A_310 = tpu.vector_load %arg8[%swap3A_308, %swap3A_309] {strides = array<i32>} : memref<32x512xf32, #tpu.memory_space<vmem>>, vector<16xf32>,
        tpu.vector_store %arg8[%swap3A_308, %swap3A_309], %gather3A_209 {strides = array<i32>} : memref<32x512xf32, #tpu.memory_space<vmem>>, vector<16xf32>,
        %mul3A_311 = arith.constant 16 : i32
        %mul3A_312 = arith.muli %scan3A_192, %mul3A_311 : i32
        %swap3A_313 = arith.constant 14 : i32
        %swap3A_314 = arith.index_cast %swap3A_313 : i32 to index
        %swap3A_315 = arith.index_cast %mul3A_312 : i32 to index
        %swap3A_316 = tpu.vector_load %arg8[%swap3A_314, %swap3A_315] {strides = array<i32>} : memref<32x512xf32, #tpu.memory_space<vmem>>, vector<16xf32>,
        tpu.vector_store %arg8[%swap3A_314, %swap3A_315], %gather3A_210 {strides = array<i32>} : memref<32x512xf32, #tpu.memory_space<vmem>>, vector<16xf32>,
        %mul3A_317 = arith.constant 16 : i32
        %mul3A_318 = arith.muli %scan3A_192, %mul3A_317 : i32
        %swap3A_319 = arith.constant 15 : i32
        %swap3A_320 = arith.index_cast %swap3A_319 : i32 to index
        %swap3A_321 = arith.index_cast %mul3A_318 : i32 to index
        %swap3A_322 = tpu.vector_load %arg8[%swap3A_320, %swap3A_321] {strides = array<i32>} : memref<32x512xf32, #tpu.memory_space<vmem>>, vector<16xf32>,
        tpu.vector_store %arg8[%swap3A_320, %swap3A_321], %gather3A_211 {strides = array<i32>} : memref<32x512xf32, #tpu.memory_space<vmem>>, vector<16xf32>,
        %mul3A_323 = arith.constant 16 : i32
        %mul3A_324 = arith.muli %scan3A_192, %mul3A_323 : i32
        %swap3A_325 = arith.constant 16 : i32
        %swap3A_326 = arith.index_cast %swap3A_325 : i32 to index
        %swap3A_327 = arith.index_cast %mul3A_324 : i32 to index
        %swap3A_328 = tpu.vector_load %arg8[%swap3A_326, %swap3A_327] {strides = array<i32>} : memref<32x512xf32, #tpu.memory_space<vmem>>, vector<16xf32>,
        tpu.vector_store %arg8[%swap3A_326, %swap3A_327], %gather3A_212 {strides = array<i32>} : memref<32x512xf32, #tpu.memory_space<vmem>>, vector<16xf32>,
        %mul3A_329 = arith.constant 16 : i32
        %mul3A_330 = arith.muli %scan3A_192, %mul3A_329 : i32
        %swap3A_331 = arith.constant 17 : i32
        %swap3A_332 = arith.index_cast %swap3A_331 : i32 to index
        %swap3A_333 = arith.index_cast %mul3A_330 : i32 to index
        %swap3A_334 = tpu.vector_load %arg8[%swap3A_332, %swap3A_333] {strides = array<i32>} : memref<32x512xf32, #tpu.memory_space<vmem>>, vector<16xf32>,
        tpu.vector_store %arg8[%swap3A_332, %swap3A_333], %gather3A_213 {strides = array<i32>} : memref<32x512xf32, #tpu.memory_space<vmem>>, vector<16xf32>,
        %mul3A_335 = arith.constant 16 : i32
        %mul3A_336 = arith.muli %scan3A_192, %mul3A_335 : i32
        %swap3A_337 = arith.constant 18 : i32
        %swap3A_338 = arith.index_cast %swap3A_337 : i32 to index
        %swap3A_339 = arith.index_cast %mul3A_336 : i32 to index
        %swap3A_340 = tpu.vector_load %arg8[%swap3A_338, %swap3A_339] {strides = array<i32>} : memref<32x512xf32, #tpu.memory_space<vmem>>, vector<16xf32>,
        tpu.vector_store %arg8[%swap3A_338, %swap3A_339], %gather3A_214 {strides = array<i32>} : memref<32x512xf32, #tpu.memory_space<vmem>>, vector<16xf32>,
        %mul3A_341 = arith.constant 16 : i32
        %mul3A_342 = arith.muli %scan3A_192, %mul3A_341 : i32
        %swap3A_343 = arith.constant 19 : i32
        %swap3A_344 = arith.index_cast %swap3A_343 : i32 to index
        %swap3A_345 = arith.index_cast %mul3A_342 : i32 to index
        %swap3A_346 = tpu.vector_load %arg8[%swap3A_344, %swap3A_345] {strides = array<i32>} : memref<32x512xf32, #tpu.memory_space<vmem>>, vector<16xf32>,
        tpu.vector_store %arg8[%swap3A_344, %swap3A_345], %gather3A_215 {strides = array<i32>} : memref<32x512xf32, #tpu.memory_space<vmem>>, vector<16xf32>,
        %mul3A_347 = arith.constant 16 : i32
        %mul3A_348 = arith.muli %scan3A_192, %mul3A_347 : i32
        %swap3A_349 = arith.constant 20 : i32
        %swap3A_350 = arith.index_cast %swap3A_349 : i32 to index
        %swap3A_351 = arith.index_cast %mul3A_348 : i32 to index
        %swap3A_352 = tpu.vector_load %arg8[%swap3A_350, %swap3A_351] {strides = array<i32>} : memref<32x512xf32, #tpu.memory_space<vmem>>, vector<16xf32>,
        tpu.vector_store %arg8[%swap3A_350, %swap3A_351], %gather3A_216 {strides = array<i32>} : memref<32x512xf32, #tpu.memory_space<vmem>>, vector<16xf32>,
        %mul3A_353 = arith.constant 16 : i32
        %mul3A_354 = arith.muli %scan3A_192, %mul3A_353 : i32
        %swap3A_355 = arith.constant 21 : i32
        %swap3A_356 = arith.index_cast %swap3A_355 : i32 to index
        %swap3A_357 = arith.index_cast %mul3A_354 : i32 to index
        %swap3A_358 = tpu.vector_load %arg8[%swap3A_356, %swap3A_357] {strides = array<i32>} : memref<32x512xf32, #tpu.memory_space<vmem>>, vector<16xf32>,
        tpu.vector_store %arg8[%swap3A_356, %swap3A_357], %gather3A_217 {strides = array<i32>} : memref<32x512xf32, #tpu.memory_space<vmem>>, vector<16xf32>,
        %mul3A_359 = arith.constant 16 : i32
        %mul3A_360 = arith.muli %scan3A_192, %mul3A_359 : i32
        %swap3A_361 = arith.constant 22 : i32
        %swap3A_362 = arith.index_cast %swap3A_361 : i32 to index
        %swap3A_363 = arith.index_cast %mul3A_360 : i32 to index
        %swap3A_364 = tpu.vector_load %arg8[%swap3A_362, %swap3A_363] {strides = array<i32>} : memref<32x512xf32, #tpu.memory_space<vmem>>, vector<16xf32>,
        tpu.vector_store %arg8[%swap3A_362, %swap3A_363], %gather3A_218 {strides = array<i32>} : memref<32x512xf32, #tpu.memory_space<vmem>>, vector<16xf32>,
        %mul3A_365 = arith.constant 16 : i32
        %mul3A_366 = arith.muli %scan3A_192, %mul3A_365 : i32
        %swap3A_367 = arith.constant 23 : i32
        %swap3A_368 = arith.index_cast %swap3A_367 : i32 to index
        %swap3A_369 = arith.index_cast %mul3A_366 : i32 to index
        %swap3A_370 = tpu.vector_load %arg8[%swap3A_368, %swap3A_369] {strides = array<i32>} : memref<32x512xf32, #tpu.memory_space<vmem>>, vector<16xf32>,
        tpu.vector_store %arg8[%swap3A_368, %swap3A_369], %gather3A_219 {strides = array<i32>} : memref<32x512xf32, #tpu.memory_space<vmem>>, vector<16xf32>,
        %mul3A_371 = arith.constant 16 : i32
        %mul3A_372 = arith.muli %scan3A_192, %mul3A_371 : i32
        %swap3A_373 = arith.constant 24 : i32
        %swap3A_374 = arith.index_cast %swap3A_373 : i32 to index
        %swap3A_375 = arith.index_cast %mul3A_372 : i32 to index
        %swap3A_376 = tpu.vector_load %arg8[%swap3A_374, %swap3A_375] {strides = array<i32>} : memref<32x512xf32, #tpu.memory_space<vmem>>, vector<16xf32>,
        tpu.vector_store %arg8[%swap3A_374, %swap3A_375], %gather3A_220 {strides = array<i32>} : memref<32x512xf32, #tpu.memory_space<vmem>>, vector<16xf32>,
        %mul3A_377 = arith.constant 16 : i32
        %mul3A_378 = arith.muli %scan3A_192, %mul3A_377 : i32
        %swap3A_379 = arith.constant 25 : i32
        %swap3A_380 = arith.index_cast %swap3A_379 : i32 to index
        %swap3A_381 = arith.index_cast %mul3A_378 : i32 to index
        %swap3A_382 = tpu.vector_load %arg8[%swap3A_380, %swap3A_381] {strides = array<i32>} : memref<32x512xf32, #tpu.memory_space<vmem>>, vector<16xf32>,
        tpu.vector_store %arg8[%swap3A_380, %swap3A_381], %gather3A_221 {strides = array<i32>} : memref<32x512xf32, #tpu.memory_space<vmem>>, vector<16xf32>,
        %mul3A_383 = arith.constant 16 : i32
        %mul3A_384 = arith.muli %scan3A_192, %mul3A_383 : i32
        %swap3A_385 = arith.constant 26 : i32
        %swap3A_386 = arith.index_cast %swap3A_385 : i32 to index
        %swap3A_387 = arith.index_cast %mul3A_384 : i32 to index
        %swap3A_388 = tpu.vector_load %arg8[%swap3A_386, %swap3A_387] {strides = array<i32>} : memref<32x512xf32, #tpu.memory_space<vmem>>, vector<16xf32>,
        tpu.vector_store %arg8[%swap3A_386, %swap3A_387], %gather3A_222 {strides = array<i32>} : memref<32x512xf32, #tpu.memory_space<vmem>>, vector<16xf32>,
        %mul3A_389 = arith.constant 16 : i32
        %mul3A_390 = arith.muli %scan3A_192, %mul3A_389 : i32
        %swap3A_391 = arith.constant 27 : i32
        %swap3A_392 = arith.index_cast %swap3A_391 : i32 to index
        %swap3A_393 = arith.index_cast %mul3A_390 : i32 to index
        %swap3A_394 = tpu.vector_load %arg8[%swap3A_392, %swap3A_393] {strides = array<i32>} : memref<32x512xf32, #tpu.memory_space<vmem>>, vector<16xf32>,
        tpu.vector_store %arg8[%swap3A_392, %swap3A_393], %gather3A_223 {strides = array<i32>} : memref<32x512xf32, #tpu.memory_space<vmem>>, vector<16xf32>,
        %mul3A_395 = arith.constant 16 : i32
        %mul3A_396 = arith.muli %scan3A_192, %mul3A_395 : i32
        %swap3A_397 = arith.constant 28 : i32
        %swap3A_398 = arith.index_cast %swap3A_397 : i32 to index
        %swap3A_399 = arith.index_cast %mul3A_396 : i32 to index
        %swap3A_400 = tpu.vector_load %arg8[%swap3A_398, %swap3A_399] {strides = array<i32>} : memref<32x512xf32, #tpu.memory_space<vmem>>, vector<16xf32>,
        tpu.vector_store %arg8[%swap3A_398, %swap3A_399], %gather3A_224 {strides = array<i32>} : memref<32x512xf32, #tpu.memory_space<vmem>>, vector<16xf32>,
        %mul3A_401 = arith.constant 16 : i32
        %mul3A_402 = arith.muli %scan3A_192, %mul3A_401 : i32
        %swap3A_403 = arith.constant 29 : i32
        %swap3A_404 = arith.index_cast %swap3A_403 : i32 to index
        %swap3A_405 = arith.index_cast %mul3A_402 : i32 to index
        %swap3A_406 = tpu.vector_load %arg8[%swap3A_404, %swap3A_405] {strides = array<i32>} : memref<32x512xf32, #tpu.memory_space<vmem>>, vector<16xf32>,
        tpu.vector_store %arg8[%swap3A_404, %swap3A_405], %gather3A_225 {strides = array<i32>} : memref<32x512xf32, #tpu.memory_space<vmem>>, vector<16xf32>,
        %mul3A_407 = arith.constant 16 : i32
        %mul3A_408 = arith.muli %scan3A_192, %mul3A_407 : i32
        %swap3A_409 = arith.constant 30 : i32
        %swap3A_410 = arith.index_cast %swap3A_409 : i32 to index
        %swap3A_411 = arith.index_cast %mul3A_408 : i32 to index
        %swap3A_412 = tpu.vector_load %arg8[%swap3A_410, %swap3A_411] {strides = array<i32>} : memref<32x512xf32, #tpu.memory_space<vmem>>, vector<16xf32>,
        tpu.vector_store %arg8[%swap3A_410, %swap3A_411], %gather3A_226 {strides = array<i32>} : memref<32x512xf32, #tpu.memory_space<vmem>>, vector<16xf32>,
        %mul3A_413 = arith.constant 16 : i32
        %mul3A_414 = arith.muli %scan3A_192, %mul3A_413 : i32
        %swap3A_415 = arith.constant 31 : i32
        %swap3A_416 = arith.index_cast %swap3A_415 : i32 to index
        %swap3A_417 = arith.index_cast %mul3A_414 : i32 to index
        %swap3A_418 = tpu.vector_load %arg8[%swap3A_416, %swap3A_417] {strides = array<i32>} : memref<32x512xf32, #tpu.memory_space<vmem>>, vector<16xf32>,
        tpu.vector_store %arg8[%swap3A_416, %swap3A_417], %gather3A_227 {strides = array<i32>} : memref<32x512xf32, #tpu.memory_space<vmem>>, vector<16xf32>,
        %scan3A_419 = arith.constant 0 : i32
        scf.yield %scan3A_419 : i32
      }
      %scan3A_176 = arith.constant 32 : i32
      %add3A_177 = arith.constant 2 : i32
      %add3A_178 = arith.addi %sub3A_138, %add3A_177 : i32
      %lt3A_179 = arith.cmpi slt, %add3A_178, %add3A_4 : i32
      %convert_element_type3A_180 = arith.extui %lt3A_179 : i1 to i32
      %cond3A_181 = arith.constant 0 : i32
      %cond3A_182 = arith.cmpi ne, %convert_element_type3A_180, %cond3A_181 : i32
      scf.if %cond3A_182 {
        %add3A_192 = arith.constant 2 : i32
        %add3A_193 = arith.addi %sub3A_138, %add3A_192 : i32
        %mul3A_194 = arith.constant 32 : i32
        %mul3A_195 = arith.muli %add3A_193, %mul3A_194 : i32
        %add3A_196 = arith.addi %add3A, %mul3A_195 : i32
        %mul3A_197 = arith.constant 512 : i32
        %mul3A_198 = arith.muli %add3A_196, %mul3A_197 : i32
        %dma_start3A_199 = tpu.memref_slice %arg2[%mul3A_198] : memref<1600000xi32, #tpu.memory_space<hbm>> -> memref<512xi32, #tpu.memory_space<hbm>>
        %dma_start3A_200 = tpu.memref_slice %arg2[%mul3A_198] : memref<1600000xi32, #tpu.memory_space<hbm>> -> memref<512xi32, #tpu.memory_space<hbm>>
        tpu.enqueue_dma source(%dma_start3A_200 : memref<512xi32, #tpu.memory_space<hbm>>) target(%arg6 : memref<512xi32, #tpu.memory_space<vmem>>) target_semaphore(%arg10 : memref<!tpu.dma_semaphore, #tpu.memory_space<semaphore_mem>>)
      } else {
      }
      %mul3A_183 = arith.constant 32 : i32
      %mul3A_184 = arith.muli %sub3A_138, %mul3A_183 : i32
      %add3A_185 = arith.addi %add3A, %mul3A_184 : i32
      %mul3A_186 = arith.constant 512 : i32
      %mul3A_187 = arith.muli %add3A_185, %mul3A_186 : i32
      %dma_start3A_188 = arith.constant 0 : i32
      %dma_start3A_189 = tpu.memref_slice %arg4[%dma_start3A_188, %mul3A_187] : memref<32x1600000xf32, #tpu.memory_space<hbm>> -> memref<32x512xf32, #tpu.memory_space<hbm>>
      %dma_start3A_190 = arith.constant 0 : i32
      %dma_start3A_191 = tpu.memref_slice %arg4[%dma_start3A_190, %mul3A_187] : memref<32x1600000xf32, #tpu.memory_space<hbm>> -> memref<32x512xf32, #tpu.memory_space<hbm>>
      tpu.enqueue_dma source(%arg8 : memref<32x512xf32, #tpu.memory_space<vmem>>) target(%dma_start3A_191 : memref<32x512xf32, #tpu.memory_space<hbm>>) target_semaphore(%arg12 : memref<!tpu.dma_semaphore, #tpu.memory_space<semaphore_mem>>)
    } else {
    }
    %dma_wait3A = arith.constant 0 : i32
    %dma_wait3A_126 = arith.constant 0 : i32
    %dma_wait3A_127 = tpu.memref_slice %arg4[%dma_wait3A, %dma_wait3A_126] : memref<32x1600000xf32, #tpu.memory_space<hbm>> -> memref<32x512xf32, #tpu.memory_space<hbm>>
    %dma_wait3A_128 = arith.constant 0 : i32
    %dma_wait3A_129 = arith.constant 0 : i32
    %dma_wait3A_130 = tpu.memref_slice %arg4[%dma_wait3A_128, %dma_wait3A_129] : memref<32x1600000xf32, #tpu.memory_space<hbm>> -> memref<32x512xf32, #tpu.memory_space<hbm>>
    tpu.wait_dma2 semaphore(%arg12 : memref<!tpu.dma_semaphore, #tpu.memory_space<semaphore_mem>>) src(%arg8 : memref<32x512xf32, #tpu.memory_space<vmem>>) dst(%dma_wait3A_130 : memref<32x512xf32, #tpu.memory_space<hbm>>)
    %dma_wait3A_131 = arith.constant 0 : i32
    %dma_wait3A_132 = arith.constant 0 : i32
    %dma_wait3A_133 = tpu.memref_slice %arg4[%dma_wait3A_131, %dma_wait3A_132] : memref<32x1600000xf32, #tpu.memory_space<hbm>> -> memref<32x512xf32, #tpu.memory_space<hbm>>
    %dma_wait3A_134 = arith.constant 0 : i32
    %dma_wait3A_135 = arith.constant 0 : i32
    %dma_wait3A_136 = tpu.memref_slice %arg4[%dma_wait3A_134, %dma_wait3A_135] : memref<32x1600000xf32, #tpu.memory_space<hbm>> -> memref<32x512xf32, #tpu.memory_space<hbm>>
    tpu.wait_dma2 semaphore(%arg13 : memref<!tpu.dma_semaphore, #tpu.memory_space<semaphore_mem>>) src(%arg9 : memref<32x512xf32, #tpu.memory_space<vmem>>) dst(%dma_wait3A_136 : memref<32x512xf32, #tpu.memory_space<hbm>>)
    return
  }
}

</mosaic_0001>

<sc_bundles>
// kernel: _sc_gather.3.cloned.1.call-start
scs
__scs_entry_jumppad:
0x0: {  	(pc) =	sbr.rel $0x88, $3  }
0x1: {  	(tag) =	ssettag $0x0;
	lr =	simm.s32 $0x1  }
0x2: {  	[smem:$0x3F9F] =	sst lr;
	_ =	strace $0xD0000000  }
0x3: {  	_ = 	snop  }
0x4: {  	_ = 	snop  }
0x5: {  	_ = 	snop  }
0x6: {  	_ = 	snop  }
0x7: {  	_ = 	snop  }
__scs_overlays_trampoline_lowered:
0x8: {  	[smem:$0x3FAE] =	sst s0  }
0x9: {  	[smem:$0x3FAF] =	sst s1  }
0xa: {  	[smem:$0x3FB0] =	sst s2  }
0xb: {  	[smem:$0x3FB1] =	sst s3  }
0xc: {  	[smem:$0x3FB2] =	sst s4  }
0xd: {  	[smem:$0x3FB3] =	sst s5  }
0xe: {  	[smem:$0x3FB4] =	sst s6  }
0xf: {  	[smem:$0x3FB5] =	sst s7  }
0x10: {  	[smem:$0x3FB6] =	sst s8  }
0x11: {  	[smem:$0x3FB7] =	sst s9;
	s0 =	simm.s32 @!p0 $0x0  }
0x12: {  	s1 =	sld [smem:$0x3F9D];
	s0 =	simm.s32 @p0 $0x1  }
0x13: {  	[smem:$0x3FB8] =	sst s0;
	s0 =	simm.s32 @!p1 $0x0  }
0x14: {  	s2 =	sld [smem:$0x3F9C];
	s0 =	simm.s32 @p1 $0x1  }
0x15: {  	[smem:$0x3FB9] =	sst s0;
	s0 =	simm.s32 @!p2 $0x0  }
0x16: {  	s3 =	sld [smem:$0x3FDB];
	s0 =	simm.s32 @p2 $0x1  }
0x17: {  	s4 =	simm.s32 $0x1BF5;
	[smem:$0x3FBB] =	sst s0  }
0x18: {  	s0 =	sld [smem:$0x3F9E];
	_ =	swait.ge [sflag:s4], $0x0  }
0x19: {  	s7 =	sld [smem:$0x3F9F]  }
0x1a: {  	s8 =	sadd.s32 $0xFFFFE003, lr  }
0x1b: {  	s9 =	sadd.s32 $0xFFFFFEF7, lr;
	s5 =	simm.s32 $0xFFFFFFFF;
	p2 =	slt.u32 s8, $0xFFFFF086  }
0x1c: {  	p1 =	slt.u32 s9, $0xF7A;
	s5 =	simm.s32 @!p2 $0x0  }
0x1d: {  	s5 =	simm.s32 @p1 $0x1;
	p0 =	seq.s32 s7, s2  }
0x1e: {  	s7 =	smul.u32 @!p0 $0xF7A, s2;
	p2 =	seq.s32 @!p0 s5, $0x0  }
0x1f: {  	s9 =	smul.u32 $0xF7A, s1;
	s8 =	simm.s32 @!p0 $0x1BF5;
	p2 =	por !p2, p0  }
0x20: {  	[sflag:s8] =	ssyncset.s32 @!p0 $0xFFFFF086;
	s6 =	sadd.s32 @!p0 s3, s7;
	s7 =	simm.s32 @!p0 $0x108  }
0x21: {  	s3 =	sadd.s32 s3, s9;
	s6 =	sadd.s32 @!p0 $0x88, s6;
	s7 =	simm.s32 @p2 $0x1082  }
0x22: {  	[simem:s7], [sflag:s8] =	dma.local @!p0 [hbm:s6], $0xF7A  }
0x23: {  	s9 =	sor.u32 $0xD0000000, s2;
	s6 =	simm.s32 $0x108;
	_ =	swait.ge @!p0 [sflag:s8], $0x0  }
0x24: {  	s3 =	sadd.s32 $0x88, s3;
	s6 =	simm.s32 @!p1 $0x1082;
	[sflag:s4] =	ssyncset.s32 $0xFFFFF086  }
0x25: {  	[simem:s6], [sflag:s4] =	dma.local [hbm:s3], $0xF7A  }
0x26: {  	[smem:$0x3F9F] =	sst s1;
	(tag) =	ssettag s2;
	_ =	strace s9  }
0x27: {  	s1 =	sld [smem:$0x3FAF]  }
0x28: {  	s2 =	sld [smem:$0x3FB0]  }
0x29: {  	s4 =	sld [smem:$0x3FB2]  }
0x2a: {  	p0 =	seq.s32 s5, $0x0;
	s5 =	sld [smem:$0x3FB3]  }
0x2b: {  	s6 =	sld [smem:$0x3FB4]  }
0x2c: {  	s7 =	sld [smem:$0x3FB5]  }
0x2d: {  	s3 =	simm.s32 $0x108;
	s8 =	sld [smem:$0x3FB6]  }
0x2e: {  	s3 =	simm.s32 @!p0 $0x1082;
	s9 =	sld [smem:$0x3FB7]  }
0x2f: {  	lr =	sadd.s32 s0, s3;
	s0 =	sld [smem:$0x3FAE]  }
0x30: {  	s3 =	sld [smem:$0x3FB1]  }
0x31: {  	[smem:$0x3FBA] =	sst s10  }
0x32: {  	s10 =	sld [smem:$0x3FB8];
	_ =	sdelay $0x3  }
0x33: {  	p0 =	seq.s32 s10, $0x1;
	s10 =	sld [smem:$0x3FBA];
	_ =	sdelay $0x3  }
0x34: {  	[smem:$0x3FBA] =	sst s10  }
0x35: {  	s10 =	sld [smem:$0x3FB9];
	_ =	sdelay $0x3  }
0x36: {  	p1 =	seq.s32 s10, $0x1;
	s10 =	sld [smem:$0x3FBA];
	_ =	sdelay $0x3  }
0x37: {  	[smem:$0x3FBA] =	sst s10  }
0x38: {  	s10 =	sld [smem:$0x3FBB]  }
0x39: {  	_ = 	snop;
	(pc) =	sbr.ind lr, $3  }
0x3a: {  	_ = 	snop  }
0x3b: {  	_ = 	snop  }
0x3c: {  	p2 =	seq.s32 s10, $0x1;
	s10 =	sld [smem:$0x3FBA]  }
0x3d: {  	_ =	shalt  }
0x3e: {  	_ =	shalt  }
0x3f: {  	_ =	shalt  }
0x40: {  	_ =	shalt  }
0x41: {  	_ =	shalt  }
0x42: {  	_ =	shalt  }
0x43: {  	_ =	shalt  }
0x44: {  	_ =	shalt  }
0x45: {  	_ =	shalt  }
0x46: {  	_ =	shalt  }
0x47: {  	_ =	shalt  }
0x48: {  	_ =	shalt  }
0x49: {  	_ =	shalt  }
0x4a: {  	_ =	shalt  }
0x4b: {  	_ =	shalt  }
0x4c: {  	_ =	shalt  }
0x4d: {  	_ =	shalt  }
0x4e: {  	_ =	shalt  }
0x4f: {  	_ =	shalt  }
0x50: {  	_ =	shalt  }
0x51: {  	_ =	shalt  }
0x52: {  	_ =	shalt  }
0x53: {  	_ =	shalt  }
0x54: {  	_ =	shalt  }
0x55: {  	_ =	shalt  }
0x56: {  	_ =	shalt  }
0x57: {  	_ =	shalt  }
0x58: {  	_ =	shalt  }
0x59: {  	_ =	shalt  }
0x5a: {  	_ =	shalt  }
0x5b: {  	_ =	shalt  }
0x5c: {  	_ =	shalt  }
0x5d: {  	_ =	shalt  }
0x5e: {  	_ =	shalt  }
0x5f: {  	_ =	shalt  }
0x60: {  	_ =	shalt  }
0x61: {  	_ =	shalt  }
0x62: {  	_ =	shalt  }
0x63: {  	_ =	shalt  }
0x64: {  	_ =	shalt  }
0x65: {  	_ =	shalt  }
0x66: {  	_ =	shalt  }
0x67: {  	_ =	shalt  }
0x68: {  	_ =	shalt  }
0x69: {  	_ =	shalt  }
0x6a: {  	_ =	shalt  }
0x6b: {  	_ =	shalt  }
0x6c: {  	_ =	shalt  }
0x6d: {  	_ =	shalt  }
0x6e: {  	_ =	shalt  }
0x6f: {  	_ =	shalt  }
0x70: {  	_ =	shalt  }
0x71: {  	_ =	shalt  }
0x72: {  	_ =	shalt  }
0x73: {  	_ =	shalt  }
0x74: {  	_ =	shalt  }
0x75: {  	_ =	shalt  }
0x76: {  	_ =	shalt  }
0x77: {  	_ =	shalt  }
0x78: {  	_ =	shalt  }
0x79: {  	_ =	shalt  }
0x7a: {  	_ =	shalt  }
0x7b: {  	_ =	shalt  }
0x7c: {  	_ =	shalt  }
0x7d: {  	_ =	shalt  }
0x7e: {  	_ =	shalt  }
0x7f: {  	_ =	shalt  }
0x80: {  	_ =	shalt  }
0x81: {  	_ =	shalt  }
0x82: {  	_ =	shalt  }
0x83: {  	_ =	shalt  }
0x84: {  	_ =	shalt  }
0x85: {  	_ =	shalt  }
0x86: {  	_ =	shalt  }
0x87: {  	_ =	shalt  }
.Lfunc_end0:
.L_simem_size_0:
called_computation_lowered:
.L_overlay_start_0:
0x88: {  	s2 =	sld [smem:$0x3FD9]  }
0x89: {  	s3 =	sld [smem:$0x3FFE];
	_ =	sdelay $0x1  }
0x8a: {  	s1 =	srdreg.scid  }
0x8b: {  	s0 =	sand.u32 $0x1, s1  }
0x8c: {  	s18 =	sshll.u32 s0, $0xA;
	s2 =	sadd.s32 s3, s2  }
0x8d: {  	s2 =	sadd.s32 s2, s18  }
0x8e: {  	[smem:$0x3FC6] =	sst s2  }
0x8f: {  	_ = 	snop  }
0x90: {  	s2 =	sld [smem:$0x3FC9]  }
0x91: {  	s19 =	sld [smem:$0x3FC8]  }
0x92: {  	s4 =	sld [smem:$0x3FD0];
	(tm) =	ssettm $0x1  }
0x93: {  	s5 =	sld [smem:$0x3FFB];
	_ =	sdelay $0x3  }
0x94: {  	_ =	strace s5  }
0x95: {  	s5 =	sld [smem:$0x3FFC];
	_ =	sdelay $0x3  }
0x96: {  	_ =	strace s5  }
0x97: {  	s5 =	sld [smem:$0x3FFD];
	_ =	sdelay $0x3  }
0x98: {  	_ =	strace s5  }
0x99: {  	_ =	strace $0x8FFFFFFF  }
0x9a: {  	s20 =	sld [smem:$0x3FDB];
	_ =	sdelay $0x1  }
0x9b: {  	s6 =	simm.s32 $_scs_section_size  }
0x9c: {  	s7 =	simm.s32 $_size__tile_overlayer_lowered;
	s8 =	simm.s32 $_tile_overlayer_lowered  }
0x9d: {  	s23 =	simm.s32 $0x1BFF;
	s22 =	sshll.u32 s8, $0x1;
	s5 =	sadd.s32 s6, s20  }
0x9e: {  	s9 =	simm.s32 $0x0;
	s21 =	sshll.u32 s7, $0x1;
	s7 =	sadd.s32 s22, s5  }
0x9f: {  	[timem:s9], [sflag:s23] =	dma.local [hbm:s7], s21  }
0xa0: {  	_ =	swait.ge [sflag:s23], s21  }
0xa1: {  	s6 =	ssub.s32 $0x0, s21;
	[sflag:s23] =	ssyncset.done $0x0  }
0xa2: {  	[sflag:s23] =	ssyncadd.s32 s6;
	_ =	sdelay $0x1  }
0xa3: {  	s24 =	simm.s32 $0x1B8B  }
0xa4: {  	_ =	swait.ge [sflag:s24], $0x1  }
0xa5: {  	[sflag:s24] =	ssyncset.done $0x0  }
0xa6: {  	s25 =	simm.s32 $0x1B8E;
	[sflag:s24] =	ssyncadd.s32 $0xFFFFFFFF  }
0xa7: {  	s26 =	simm.s32 $execute0_lowered;
	[smem:$0x3FD2] =	sst s25  }
0xa8: {  	s6 =	sshll.u32 s26, $0x1;
	_ =	strace $0x80000046;
	[dreg:$0x1] =	wrdreg $0xFFFFFFFF  }
0xa9: {  	s28 =	simm.s32 $_size_execute0_lowered;
	s5 =	sadd.s32 s5, s6;
	[dreg:$0x0] =	wrdreg $0x0  }
0xaa: {  	s6 =	sshll.u32 s28, $0x1;
	[dreg:$0x2] =	wrdreg s5  }
0xab: {  	[dreg:$0x3] =	wrdreg s6  }
0xac: {  	[dreg:$0x4] =	wrdreg $0xC0  }
0xad: {  	_ =	task [dreg:s9], $0x5FFFF  }
0xae: {  	[dreg:$0x1] =	wrdreg $0xFFFFFFFF  }
0xaf: {  	[dreg:$0x0] =	wrdreg $0x60  }
0xb0: {  	[dreg:$0x2] =	wrdreg s2  }
0xb1: {  	[dreg:$0x3] =	wrdreg s19  }
0xb2: {  	[dreg:$0x4] =	wrdreg s4  }
0xb3: {  	[dreg:$0x5] =	wrdreg $0x9  }
0xb4: {  	_ =	task.clear_ibuf [dreg:s9], $0x6FFFF;
	_ =	strace $0x90000046  }
0xb5: {  	s29 =	simm.s32 $0x9;
	_ =	strace $0x80000048  }
0xb6: {  	_ =	swait.ge [sflag:s29], $0x1  }
0xb7: {  	[sflag:s29] =	ssyncadd.s32 $0xFFFFFFFF  }
0xb8: {  	_ =	strace $0x90000048  }
0xb9: {  	_ =	sfence  }
0xba: {  	s30 =	sld [smem:$0x0];
	_ =	sdelay $0x2  }
0xbb: {  	s31 =	sshll.u32 s1, $0xD;
	s1 =	sshrl.u32 s1, $0x2  }
0xbc: {  	s3 =	sand.u32 $0x4000, s31;
	s1 =	sadd.s32 s1, s30  }
0xbd: {  	s0 =	sor.u32 s3, s0;
	s1 =	sshll.u32 s1, $0x11  }
0xbe: {  	s0 =	sor.u32 s1, s0  }
0xbf: {  	s0 =	sadd.s32 $0x8F2B, s0  }
0xc0: {  	[sflag:s0] =	ssyncadd.remote.s32 $0x1  }
0xc1: {  	_ =	sfence.sel $0xFFFF  }
0xc2: {  	[dreg:$0x0] =	wrdreg $0xFFFFFFFF;
	(pc) =	sbr.abs _section_cstart, $3  }
0xc3: {  	[dreg:$0x1] =	wrdreg $0xFFFFFFFF  }
0xc4: {  	_ =	task.clear_ibuf [dreg:s9], $0x2FFFF;
	_ =	strace $0x9FFFFFFF  }
0xc5: {  	(tm) =	ssettm $0x7FFFFFFF  }
tec
execute0_lowered:
.L_overlay_start_1:
0x0: {  	(tag) =	ssettag $0x1  }
0x1: {  	s1 =	rddreg [dreg:$0x0]  }
0x2: {  	s3 =	rddreg [dreg:$0x2]  }
0x3: {  	s0 =	srdreg.scid;
	s5 =	simm.s32 $0x0;
	s2 =	stileid.u32  }
0x4: {  	s9 =	simm.s32 $0xC20;
	s15 =	simm.s32 $0x8000;
	s16 =	simm.s32 $0x8200  }
0x5: {  	s17 =	simm.s32 $0x5;
	s18 =	simm.s32 $0x1;
	s19 =	simm.s32 $0x1000  }
0x6: {  	s20 =	simm.s32 $0xC35000;
	s21 =	simm.s32 $0x8400;
	s22 =	simm.s32 $0x2  }
0x7: {  	s23 =	simm.s32 $0xC400;
	s25 =	simm.s32 $0x4;
	s26 =	simm.s32 $0x0  }
0x8: {  	s0 =	sand.u32 $0x1, s0;
	[smem:$0x7FF] =	sst s5;
	s8 =	sshll.u32 s2, $0x1  }
0x9: {  	s6 =	ssub.s32 $0x2, s0;
	_ =	strace $0x80000047;
	s0 =	sor.u32 s0, s8  }
0xa: {  	s7 =	sshrl.u32 s6, $0x1;
	p0 =	slt.u32 s0, $0x15;
	s31 =	sshll.u32 s0, $0x6  }
0xb: {  	s8 =	sshll.u32 s0, $0x9;
	s13 =	ssub.s32 s6, s7;
	s6 =	simm.s32 $0x62  }
.Ltmp0:
0xc: {  	s9 =	simm.s32 @!p0 $0xC00;
	s7 =	sadd.s32 s1, s31;
	(pc) =	sbr.rel .LBB2_1-.Ltmp0, $4  }
0xd: {  	s14 =	sor.u32 $0x4000, s8;
	s6 =	simm.s32 @!p0 $0x61;
	s11 =	sor.u32 s0, s9  }
0xe: {  	s9 =	sadd.s32 $0x800, s7;
	s13 =	smax.u32 s13, $0x1;
	s10 =	sshrl.u32 s6, $0x1  }
0xf: {  	s12 =	sshll.u32 s11, $0x9;
	s24 =	sand.u32 $0x1, s6;
	s11 =	sshll.u32 s0, $0xC  }
0x10: {  	s12 =	sadd.s32 s3, s12;
	p0 =	seq.s32 s24, $0x0;
	s24 =	simm.s32 $0x3  }
.LBB2_11:
0x11: {  	s26 =	sadd.s32 $0x1, s26  }
0x12: {  	_ =	swait.ge [sflag:s24], $0x4000;
	p1 =	sne.s32 s26, s13  }
.Ltmp1:
0x13: {  	[sflag:s24] =	ssyncset.done $0x0;
	(pc) =	sbr.rel @!p1 .LBB2_12-.Ltmp1, $4  }
0x14: {  	[sflag:s24] =	ssyncadd.s32 $0xFFFFC000  }
0x15: {  	_ =	swait.ge [sflag:s25], $0x4000  }
0x16: {  	[sflag:s25] =	ssyncset.done $0x0  }
0x17: {  	[sflag:s25] =	ssyncadd.s32 $0xFFFFC000  }
.LBB2_1:
0x18: {  	[tilespmem:s15], [sflag:$0x1] =	stream.linear.gather [hbm4b:s7+s5], $0x200, $0x38;
	[tilespmem:$0x10400] =	vst v63  }
0x19: {  	_ = 	snop  }
0x1a: {  	[tilespmem:s16], [sflag:$0x2] =	stream.linear.gather [hbm4b:s9+s5], $0x200, $0x38;
	[tilespmem:$0x10400] =	vst v63  }
0x1b: {  	s0 =	rddreg [dreg:$0x1]  }
0x1c: {  	[tilespmem:s5], [sflag:$0x5] =	stream.linear.gather [hbm4b:s0+s5], $0x8000, $0x38;
	[tilespmem:$0x10400] =	vst v63  }
0x1d: {  	_ =	swait.ge [sflag:s17], $0x8000  }
0x1e: {  	[sflag:s17] =	ssyncset.done $0x0  }
0x1f: {  	s28 =	simm.s32 $0x0;
	[sflag:s17] =	ssyncadd.s32 $0xFFFF8000  }
.LBB2_2:
0x20: {  	_ =	swait.ge [sflag:s18], $0x200  }
0x21: {  	p1 =	seq.s32 s28, $0x0;
	[sflag:s18] =	ssyncset.done $0x0  }
0x22: {  	s0 =	simm.s32 @!p1 $0x3;
	[sflag:s18] =	ssyncadd.s32 $0xFFFFFE00  }
0x23: {  	_ =	swait.ge @!p1 [sflag:s0], $0x4000  }
0x24: {  	s29 =	sshll.u32 s28, $0x1;
	s30 =	simm.s32 $0x0;
	[sflag:s0] =	ssyncset.done @!p1 $0x0  }
0x25: {  	s31 =	simm.s32 $0x8000;
	[sflag:s0] =	ssyncadd.s32 @!p1 $0xFFFFC000;
	s0 =	simm.s32 $0x0  }
.LBB2_3:
0x26: {  	v0 =	vld [tilespmem:s31+$0x0];
	_ =	sdelay $0x4  }
0x27: {  	v1 =	vshll.u32 v0, $0x3  }
0x28: {  	v0 =	vand.u32 $0x7F, v0;
	v1 =	vand.u32 $0xFFFFFC00, v1  }
0x29: {  	v0 =	vor.u32 v0, v1  }
0x2a: {  	v1 =	vor.u32 $0x80, v0  }
0x2b: {  	v2 =	vor.u32 $0x100, v0  }
0x2c: {  	v3 =	vor.u32 $0x180, v0  }
0x2d: {  	v4 =	vor.u32 $0x200, v0  }
0x2e: {  	v6 =	vor.u32 $0x280, v0;
	v5 =	vld.idx.msk [tilespmem:v0+s5+$0x0], $0xffff  }
0x2f: {  	v7 =	vor.u32 $0x300, v0;
	v1 =	vld.idx.msk [tilespmem:v1+s5+$0x0], $0xffff  }
0x30: {  	v8 =	vor.u32 $0x380, v0;
	v2 =	vld.idx.msk [tilespmem:v2+s5+$0x0], $0xffff  }
0x31: {  	v9 =	vadd.s32 $0x2000, v0;
	v3 =	vld.idx.msk [tilespmem:v3+s5+$0x0], $0xffff  }
0x32: {  	v10 =	vadd.s32 $0x2080, v0;
	v4 =	vld.idx.msk [tilespmem:v4+s5+$0x0], $0xffff  }
0x33: {  	v11 =	vadd.s32 $0x2100, v0;
	v6 =	vld.idx.msk [tilespmem:v6+s5+$0x0], $0xffff  }
0x34: {  	v12 =	vadd.s32 $0x2180, v0;
	v7 =	vld.idx.msk [tilespmem:v7+s5+$0x0], $0xffff  }
0x35: {  	v13 =	vadd.s32 $0x2200, v0;
	v8 =	vld.idx.msk [tilespmem:v8+s5+$0x0], $0xffff  }
0x36: {  	v14 =	vadd.s32 $0x2280, v0;
	v9 =	vld.idx.msk [tilespmem:v9+s5+$0x0], $0xffff  }
0x37: {  	v15 =	vadd.s32 $0x2300, v0;
	v10 =	vld.idx.msk [tilespmem:v10+s5+$0x0], $0xffff  }
0x38: {  	v16 =	vadd.s32 $0x2380, v0;
	v11 =	vld.idx.msk [tilespmem:v11+s5+$0x0], $0xffff  }
0x39: {  	v17 =	vadd.s32 $0x4000, v0;
	v12 =	vld.idx.msk [tilespmem:v12+s5+$0x0], $0xffff  }
0x3a: {  	v18 =	vadd.s32 $0x4080, v0;
	v13 =	vld.idx.msk [tilespmem:v13+s5+$0x0], $0xffff  }
0x3b: {  	v19 =	vadd.s32 $0x4100, v0;
	v14 =	vld.idx.msk [tilespmem:v14+s5+$0x0], $0xffff  }
0x3c: {  	v20 =	vadd.s32 $0x4180, v0;
	v15 =	vld.idx.msk [tilespmem:v15+s5+$0x0], $0xffff  }
0x3d: {  	v21 =	vadd.s32 $0x4200, v0;
	v16 =	vld.idx.msk [tilespmem:v16+s5+$0x0], $0xffff  }
0x3e: {  	v22 =	vadd.s32 $0x4280, v0;
	v17 =	vld.idx.msk [tilespmem:v17+s5+$0x0], $0xffff  }
0x3f: {  	v23 =	vadd.s32 $0x4300, v0;
	v18 =	vld.idx.msk [tilespmem:v18+s5+$0x0], $0xffff  }
0x40: {  	v24 =	vadd.s32 $0x4380, v0;
	v19 =	vld.idx.msk [tilespmem:v19+s5+$0x0], $0xffff  }
0x41: {  	v25 =	vadd.s32 $0x6000, v0;
	v20 =	vld.idx.msk [tilespmem:v20+s5+$0x0], $0xffff  }
0x42: {  	v26 =	vadd.s32 $0x6080, v0;
	v21 =	vld.idx.msk [tilespmem:v21+s5+$0x0], $0xffff  }
0x43: {  	v27 =	vadd.s32 $0x6100, v0;
	v22 =	vld.idx.msk [tilespmem:v22+s5+$0x0], $0xffff  }
0x44: {  	v28 =	vadd.s32 $0x6180, v0;
	v23 =	vld.idx.msk [tilespmem:v23+s5+$0x0], $0xffff  }
0x45: {  	v29 =	vadd.s32 $0x6200, v0;
	v24 =	vld.idx.msk [tilespmem:v24+s5+$0x0], $0xffff  }
0x46: {  	v30 =	vadd.s32 $0x6280, v0;
	v25 =	vld.idx.msk [tilespmem:v25+s5+$0x0], $0xffff  }
0x47: {  	v31 =	vadd.s32 $0x6300, v0;
	v26 =	vld.idx.msk [tilespmem:v26+s5+$0x0], $0xffff  }
0x48: {  	v0 =	vadd.s32 $0x6380, v0;
	v27 =	vld.idx.msk [tilespmem:v27+s5+$0x0], $0xffff  }
0x49: {  	v28 =	vld.idx.msk [tilespmem:v28+s5+$0x0], $0xffff  }
0x4a: {  	v29 =	vld.idx.msk [tilespmem:v29+s5+$0x0], $0xffff  }
0x4b: {  	s4 =	sand.u32 $0x70, s0;
	s2 =	sand.u32 $0xC00, s30;
	v30 =	vld.idx.msk [tilespmem:v30+s5+$0x0], $0xffff  }
0x4c: {  	s2 =	sor.u32 s4, s2;
	v31 =	vld.idx.msk [tilespmem:v31+s5+$0x0], $0xffff  }
0x4d: {  	v0 =	vld.idx.msk [tilespmem:v0+s5+$0x0], $0xffff;
	[tilespmem:s2+$0x8400] =	vst v5  }
0x4e: {  	[tilespmem:s2+$0x8480] =	vst v1  }
0x4f: {  	[tilespmem:s2+$0x8500] =	vst v2  }
0x50: {  	[tilespmem:s2+$0x8580] =	vst v3  }
0x51: {  	[tilespmem:s2+$0x8600] =	vst v4  }
0x52: {  	s4 =	sor.u32 s30, s0;
	[tilespmem:s2+$0x8680] =	vst v6  }
0x53: {  	s4 =	sor.u32 $0x380, s4;
	[tilespmem:s2+$0x8700] =	vst v7  }
0x54: {  	[tilespmem:s4+$0x8400] =	vst v8  }
0x55: {  	[tilespmem:s2+$0x9400] =	vst v9  }
0x56: {  	[tilespmem:s2+$0x9480] =	vst v10  }
0x57: {  	[tilespmem:s2+$0x9500] =	vst v11  }
0x58: {  	[tilespmem:s2+$0x9580] =	vst v12  }
0x59: {  	[tilespmem:s2+$0x9600] =	vst v13  }
0x5a: {  	[tilespmem:s2+$0x9680] =	vst v14  }
0x5b: {  	[tilespmem:s2+$0x9700] =	vst v15  }
0x5c: {  	[tilespmem:s2+$0x9780] =	vst v16  }
0x5d: {  	[tilespmem:s2+$0xA400] =	vst v17  }
0x5e: {  	[tilespmem:s2+$0xA480] =	vst v18  }
0x5f: {  	[tilespmem:s2+$0xA500] =	vst v19  }
0x60: {  	[tilespmem:s2+$0xA580] =	vst v20  }
0x61: {  	[tilespmem:s2+$0xA600] =	vst v21  }
0x62: {  	[tilespmem:s2+$0xA680] =	vst v22  }
0x63: {  	[tilespmem:s2+$0xA700] =	vst v23  }
0x64: {  	[tilespmem:s2+$0xA780] =	vst v24  }
0x65: {  	[tilespmem:s2+$0xB400] =	vst v25  }
0x66: {  	[tilespmem:s2+$0xB480] =	vst v26  }
0x67: {  	p2 =	sne.s32 s0, $0x1F0;
	[tilespmem:s2+$0xB500] =	vst v27  }
.Ltmp2:
0x68: {  	[tilespmem:s2+$0xB580] =	vst v28;
	(pc) =	sbr.rel @p2 .LBB2_3-.Ltmp2, $4  }
0x69: {  	[tilespmem:s2+$0xB600] =	vst v29  }
0x6a: {  	[tilespmem:s2+$0xB680] =	vst v30  }
0x6b: {  	[tilespmem:s2+$0xB700] =	vst v31  }
0x6c: {  	s31 =	sadd.s32 $0x10, s31;
	s30 =	sadd.s32 $0x80, s30;
	s0 =	sadd.s32 $0x10, s0;
	[tilespmem:s2+$0xB780] =	vst v0  }
0x6d: {  	s0 =	sadd.s32 $0x2, s29  }
0x6e: {  	p2 =	sge.u32 s0, s6  }
0x6f: {  	s0 =	sshll.u32 @!p2 s0, $0xE  }
0x70: {  	s0 =	sor.u32 @!p2 s8, s0  }
0x71: {  	s0 =	sshrl.u32 @!p2 s0, $0x3  }
0x72: {  	s2 =	simm.s32 @!p2 $0x0;
	s4 =	simm.s32 @!p2 $0x8000;
	s0 =	sadd.s32 @!p2 s1, s0  }
0x73: {  	[tilespmem:s4], [sflag:$0x1] =	stream.linear.gather @!p2 [hbm4b:s0+s2], $0x200, $0x38;
	[tilespmem:$0x10400] =	vst v63  }
0x74: {  	s4 =	sshll.u32 s28, $0x12  }
0x75: {  	s0 =	sor.u32 s11, s4  }
0x76: {  	s0 =	sshrl.u32 s0, $0x3  }
0x77: {  	s0 =	sadd.s32 s3, s0  }
0x78: {  	[hbm4b:s0+s19] =	stream.strided.scatter [tilespmem:s21], [sflag:$0x3], $0x4000, s20, s19, $0x38;
	[tilespmem:$0x10400] =	vst v63  }
0x79: {  	_ =	swait.ge [sflag:s22], $0x200  }
0x7a: {  	[sflag:s22] =	ssyncset.done $0x0  }
0x7b: {  	s0 =	simm.s32 @!p1 $0x4;
	[sflag:s22] =	ssyncadd.s32 $0xFFFFFE00  }
0x7c: {  	_ =	swait.ge @!p1 [sflag:s0], $0x4000  }
0x7d: {  	s30 =	simm.s32 $0x0;
	[sflag:s0] =	ssyncset.done @!p1 $0x0  }
0x7e: {  	s31 =	simm.s32 $0x8200;
	[sflag:s0] =	ssyncadd.s32 @!p1 $0xFFFFC000;
	s0 =	simm.s32 $0x0  }
.LBB2_5:
0x7f: {  	v0 =	vld [tilespmem:s31+$0x0];
	_ =	sdelay $0x4  }
0x80: {  	v1 =	vshll.u32 v0, $0x3  }
0x81: {  	v0 =	vand.u32 $0x7F, v0;
	v1 =	vand.u32 $0xFFFFFC00, v1  }
0x82: {  	v0 =	vor.u32 v0, v1  }
0x83: {  	v1 =	vor.u32 $0x80, v0  }
0x84: {  	v2 =	vor.u32 $0x100, v0  }
0x85: {  	v3 =	vor.u32 $0x180, v0  }
0x86: {  	v4 =	vor.u32 $0x200, v0  }
0x87: {  	v6 =	vor.u32 $0x280, v0;
	v5 =	vld.idx.msk [tilespmem:v0+s5+$0x0], $0xffff  }
0x88: {  	v7 =	vor.u32 $0x300, v0;
	v1 =	vld.idx.msk [tilespmem:v1+s5+$0x0], $0xffff  }
0x89: {  	v8 =	vor.u32 $0x380, v0;
	v2 =	vld.idx.msk [tilespmem:v2+s5+$0x0], $0xffff  }
0x8a: {  	v9 =	vadd.s32 $0x2000, v0;
	v3 =	vld.idx.msk [tilespmem:v3+s5+$0x0], $0xffff  }
0x8b: {  	v10 =	vadd.s32 $0x2080, v0;
	v4 =	vld.idx.msk [tilespmem:v4+s5+$0x0], $0xffff  }
0x8c: {  	v11 =	vadd.s32 $0x2100, v0;
	v6 =	vld.idx.msk [tilespmem:v6+s5+$0x0], $0xffff  }
0x8d: {  	v12 =	vadd.s32 $0x2180, v0;
	v7 =	vld.idx.msk [tilespmem:v7+s5+$0x0], $0xffff  }
0x8e: {  	v13 =	vadd.s32 $0x2200, v0;
	v8 =	vld.idx.msk [tilespmem:v8+s5+$0x0], $0xffff  }
0x8f: {  	v14 =	vadd.s32 $0x2280, v0;
	v9 =	vld.idx.msk [tilespmem:v9+s5+$0x0], $0xffff  }
0x90: {  	v15 =	vadd.s32 $0x2300, v0;
	v10 =	vld.idx.msk [tilespmem:v10+s5+$0x0], $0xffff  }
0x91: {  	v16 =	vadd.s32 $0x2380, v0;
	v11 =	vld.idx.msk [tilespmem:v11+s5+$0x0], $0xffff  }
0x92: {  	v17 =	vadd.s32 $0x4000, v0;
	v12 =	vld.idx.msk [tilespmem:v12+s5+$0x0], $0xffff  }
0x93: {  	v18 =	vadd.s32 $0x4080, v0;
	v13 =	vld.idx.msk [tilespmem:v13+s5+$0x0], $0xffff  }
0x94: {  	v19 =	vadd.s32 $0x4100, v0;
	v14 =	vld.idx.msk [tilespmem:v14+s5+$0x0], $0xffff  }
0x95: {  	v20 =	vadd.s32 $0x4180, v0;
	v15 =	vld.idx.msk [tilespmem:v15+s5+$0x0], $0xffff  }
0x96: {  	v21 =	vadd.s32 $0x4200, v0;
	v16 =	vld.idx.msk [tilespmem:v16+s5+$0x0], $0xffff  }
0x97: {  	v22 =	vadd.s32 $0x4280, v0;
	v17 =	vld.idx.msk [tilespmem:v17+s5+$0x0], $0xffff  }
0x98: {  	v23 =	vadd.s32 $0x4300, v0;
	v18 =	vld.idx.msk [tilespmem:v18+s5+$0x0], $0xffff  }
0x99: {  	v24 =	vadd.s32 $0x4380, v0;
	v19 =	vld.idx.msk [tilespmem:v19+s5+$0x0], $0xffff  }
0x9a: {  	v25 =	vadd.s32 $0x6000, v0;
	v20 =	vld.idx.msk [tilespmem:v20+s5+$0x0], $0xffff  }
0x9b: {  	v26 =	vadd.s32 $0x6080, v0;
	v21 =	vld.idx.msk [tilespmem:v21+s5+$0x0], $0xffff  }
0x9c: {  	v27 =	vadd.s32 $0x6100, v0;
	v22 =	vld.idx.msk [tilespmem:v22+s5+$0x0], $0xffff  }
0x9d: {  	v28 =	vadd.s32 $0x6180, v0;
	v23 =	vld.idx.msk [tilespmem:v23+s5+$0x0], $0xffff  }
0x9e: {  	v29 =	vadd.s32 $0x6200, v0;
	v24 =	vld.idx.msk [tilespmem:v24+s5+$0x0], $0xffff  }
0x9f: {  	v30 =	vadd.s32 $0x6280, v0;
	v25 =	vld.idx.msk [tilespmem:v25+s5+$0x0], $0xffff  }
0xa0: {  	v31 =	vadd.s32 $0x6300, v0;
	v26 =	vld.idx.msk [tilespmem:v26+s5+$0x0], $0xffff  }
0xa1: {  	v0 =	vadd.s32 $0x6380, v0;
	v27 =	vld.idx.msk [tilespmem:v27+s5+$0x0], $0xffff  }
0xa2: {  	v28 =	vld.idx.msk [tilespmem:v28+s5+$0x0], $0xffff  }
0xa3: {  	v29 =	vld.idx.msk [tilespmem:v29+s5+$0x0], $0xffff  }
0xa4: {  	s2 =	sand.u32 $0x70, s0;
	s4 =	sand.u32 $0xC00, s30;
	v30 =	vld.idx.msk [tilespmem:v30+s5+$0x0], $0xffff  }
0xa5: {  	s2 =	sor.u32 s2, s4;
	v31 =	vld.idx.msk [tilespmem:v31+s5+$0x0], $0xffff  }
0xa6: {  	v0 =	vld.idx.msk [tilespmem:v0+s5+$0x0], $0xffff;
	[tilespmem:s2+$0xC400] =	vst v5  }
0xa7: {  	[tilespmem:s2+$0xC480] =	vst v1  }
0xa8: {  	[tilespmem:s2+$0xC500] =	vst v2  }
0xa9: {  	[tilespmem:s2+$0xC580] =	vst v3  }
0xaa: {  	[tilespmem:s2+$0xC600] =	vst v4  }
0xab: {  	s4 =	sor.u32 s30, s0;
	[tilespmem:s2+$0xC680] =	vst v6  }
0xac: {  	s4 =	sor.u32 $0x380, s4;
	[tilespmem:s2+$0xC700] =	vst v7  }
0xad: {  	[tilespmem:s4+$0xC400] =	vst v8  }
0xae: {  	[tilespmem:s2+$0xD400] =	vst v9  }
0xaf: {  	[tilespmem:s2+$0xD480] =	vst v10  }
0xb0: {  	[tilespmem:s2+$0xD500] =	vst v11  }
0xb1: {  	[tilespmem:s2+$0xD580] =	vst v12  }
0xb2: {  	[tilespmem:s2+$0xD600] =	vst v13  }
0xb3: {  	[tilespmem:s2+$0xD680] =	vst v14  }
0xb4: {  	[tilespmem:s2+$0xD700] =	vst v15  }
0xb5: {  	[tilespmem:s2+$0xD780] =	vst v16  }
0xb6: {  	[tilespmem:s2+$0xE400] =	vst v17  }
0xb7: {  	[tilespmem:s2+$0xE480] =	vst v18  }
0xb8: {  	[tilespmem:s2+$0xE500] =	vst v19  }
0xb9: {  	[tilespmem:s2+$0xE580] =	vst v20  }
0xba: {  	[tilespmem:s2+$0xE600] =	vst v21  }
0xbb: {  	[tilespmem:s2+$0xE680] =	vst v22  }
0xbc: {  	[tilespmem:s2+$0xE700] =	vst v23  }
0xbd: {  	[tilespmem:s2+$0xE780] =	vst v24  }
0xbe: {  	[tilespmem:s2+$0xF400] =	vst v25  }
0xbf: {  	[tilespmem:s2+$0xF480] =	vst v26  }
0xc0: {  	p1 =	sne.s32 s0, $0x1F0;
	[tilespmem:s2+$0xF500] =	vst v27  }
.Ltmp3:
0xc1: {  	[tilespmem:s2+$0xF580] =	vst v28;
	(pc) =	sbr.rel @p1 .LBB2_5-.Ltmp3, $4  }
0xc2: {  	[tilespmem:s2+$0xF600] =	vst v29  }
0xc3: {  	[tilespmem:s2+$0xF680] =	vst v30  }
0xc4: {  	[tilespmem:s2+$0xF700] =	vst v31  }
0xc5: {  	s31 =	sadd.s32 $0x10, s31;
	s30 =	sadd.s32 $0x80, s30;
	s0 =	sadd.s32 $0x10, s0;
	[tilespmem:s2+$0xF780] =	vst v0  }
0xc6: {  	s0 =	sadd.s32 $0x3, s29  }
0xc7: {  	p1 =	sge.u32 s0, s6  }
0xc8: {  	s0 =	sshll.u32 @!p1 s0, $0xE  }
0xc9: {  	s0 =	sor.u32 @!p1 s8, s0  }
0xca: {  	s31 =	sshll.u32 s28, $0xF;
	s28 =	sadd.s32 $0x1, s28;
	s0 =	sshrl.u32 @!p1 s0, $0x3  }
0xcb: {  	s2 =	simm.s32 @!p1 $0x0;
	s4 =	simm.s32 @!p1 $0x8200;
	s0 =	sadd.s32 @!p1 s1, s0  }
0xcc: {  	[tilespmem:s4], [sflag:$0x2] =	stream.linear.gather @!p1 [hbm4b:s0+s2], $0x200, $0x38;
	[tilespmem:$0x10400] =	vst v63  }
0xcd: {  	p1 =	sne.s32 s28, s10  }
.Ltmp4:
0xce: {  	_ = 	snop;
	(pc) =	sbr.rel @p1 .LBB2_2-.Ltmp4, $4  }
0xcf: {  	_ = 	snop  }
0xd0: {  	s0 =	sor.u32 s14, s31  }
0xd1: {  	s0 =	sadd.s32 s3, s0  }
0xd2: {  	[hbm4b:s0+s19] =	stream.strided.scatter [tilespmem:s23], [sflag:$0x4], $0x4000, s20, s19, $0x38;
	[tilespmem:$0x10400] =	vst v63  }
.Ltmp5:
0xd3: {  	(pc) =	sbr.rel @p0 .LBB2_11-.Ltmp5, $1  }
0xd4: {  	_ =	sdelay $0x3  }
0xd5: {  	_ =	swait.ge [sflag:s18], $0x200  }
0xd6: {  	[sflag:s18] =	ssyncset.done $0x0  }
0xd7: {  	[sflag:s18] =	ssyncadd.s32 $0xFFFFFE00  }
0xd8: {  	_ =	swait.ge [sflag:s24], $0x4000  }
0xd9: {  	s28 =	simm.s32 $0x0;
	[sflag:s24] =	ssyncset.done $0x0  }
0xda: {  	s29 =	simm.s32 $0x8000;
	s0 =	simm.s32 $0x0;
	[sflag:s24] =	ssyncadd.s32 $0xFFFFC000  }
.LBB2_9:
0xdb: {  	v0 =	vld [tilespmem:s29+$0x0];
	_ =	sdelay $0x4  }
0xdc: {  	v1 =	vshll.u32 v0, $0x3  }
0xdd: {  	v0 =	vand.u32 $0x7F, v0;
	v1 =	vand.u32 $0xFFFFFC00, v1  }
0xde: {  	v0 =	vor.u32 v0, v1  }
0xdf: {  	v1 =	vor.u32 $0x80, v0  }
0xe0: {  	v2 =	vor.u32 $0x100, v0  }
0xe1: {  	v3 =	vor.u32 $0x180, v0  }
0xe2: {  	v4 =	vor.u32 $0x200, v0  }
0xe3: {  	v6 =	vor.u32 $0x280, v0;
	v5 =	vld.idx.msk [tilespmem:v0+s5+$0x0], $0xffff  }
0xe4: {  	v7 =	vor.u32 $0x300, v0;
	v1 =	vld.idx.msk [tilespmem:v1+s5+$0x0], $0xffff  }
0xe5: {  	v8 =	vor.u32 $0x380, v0;
	v2 =	vld.idx.msk [tilespmem:v2+s5+$0x0], $0xffff  }
0xe6: {  	v9 =	vadd.s32 $0x2000, v0;
	v3 =	vld.idx.msk [tilespmem:v3+s5+$0x0], $0xffff  }
0xe7: {  	v10 =	vadd.s32 $0x2080, v0;
	v4 =	vld.idx.msk [tilespmem:v4+s5+$0x0], $0xffff  }
0xe8: {  	v11 =	vadd.s32 $0x2100, v0;
	v6 =	vld.idx.msk [tilespmem:v6+s5+$0x0], $0xffff  }
0xe9: {  	v12 =	vadd.s32 $0x2180, v0;
	v7 =	vld.idx.msk [tilespmem:v7+s5+$0x0], $0xffff  }
0xea: {  	v13 =	vadd.s32 $0x2200, v0;
	v8 =	vld.idx.msk [tilespmem:v8+s5+$0x0], $0xffff  }
0xeb: {  	v14 =	vadd.s32 $0x2280, v0;
	v9 =	vld.idx.msk [tilespmem:v9+s5+$0x0], $0xffff  }
0xec: {  	v15 =	vadd.s32 $0x2300, v0;
	v10 =	vld.idx.msk [tilespmem:v10+s5+$0x0], $0xffff  }
0xed: {  	v16 =	vadd.s32 $0x2380, v0;
	v11 =	vld.idx.msk [tilespmem:v11+s5+$0x0], $0xffff  }
0xee: {  	v17 =	vadd.s32 $0x4000, v0;
	v12 =	vld.idx.msk [tilespmem:v12+s5+$0x0], $0xffff  }
0xef: {  	v18 =	vadd.s32 $0x4080, v0;
	v13 =	vld.idx.msk [tilespmem:v13+s5+$0x0], $0xffff  }
0xf0: {  	v19 =	vadd.s32 $0x4100, v0;
	v14 =	vld.idx.msk [tilespmem:v14+s5+$0x0], $0xffff  }
0xf1: {  	v20 =	vadd.s32 $0x4180, v0;
	v15 =	vld.idx.msk [tilespmem:v15+s5+$0x0], $0xffff  }
0xf2: {  	v21 =	vadd.s32 $0x4200, v0;
	v16 =	vld.idx.msk [tilespmem:v16+s5+$0x0], $0xffff  }
0xf3: {  	v22 =	vadd.s32 $0x4280, v0;
	v17 =	vld.idx.msk [tilespmem:v17+s5+$0x0], $0xffff  }
0xf4: {  	v23 =	vadd.s32 $0x4300, v0;
	v18 =	vld.idx.msk [tilespmem:v18+s5+$0x0], $0xffff  }
0xf5: {  	v24 =	vadd.s32 $0x4380, v0;
	v19 =	vld.idx.msk [tilespmem:v19+s5+$0x0], $0xffff  }
0xf6: {  	v25 =	vadd.s32 $0x6000, v0;
	v20 =	vld.idx.msk [tilespmem:v20+s5+$0x0], $0xffff  }
0xf7: {  	v26 =	vadd.s32 $0x6080, v0;
	v21 =	vld.idx.msk [tilespmem:v21+s5+$0x0], $0xffff  }
0xf8: {  	v27 =	vadd.s32 $0x6100, v0;
	v22 =	vld.idx.msk [tilespmem:v22+s5+$0x0], $0xffff  }
0xf9: {  	v28 =	vadd.s32 $0x6180, v0;
	v23 =	vld.idx.msk [tilespmem:v23+s5+$0x0], $0xffff  }
0xfa: {  	v29 =	vadd.s32 $0x6200, v0;
	v24 =	vld.idx.msk [tilespmem:v24+s5+$0x0], $0xffff  }
0xfb: {  	v30 =	vadd.s32 $0x6280, v0;
	v25 =	vld.idx.msk [tilespmem:v25+s5+$0x0], $0xffff  }
0xfc: {  	v31 =	vadd.s32 $0x6300, v0;
	v26 =	vld.idx.msk [tilespmem:v26+s5+$0x0], $0xffff  }
0xfd: {  	v0 =	vadd.s32 $0x6380, v0;
	v27 =	vld.idx.msk [tilespmem:v27+s5+$0x0], $0xffff  }
0xfe: {  	v28 =	vld.idx.msk [tilespmem:v28+s5+$0x0], $0xffff  }
0xff: {  	v29 =	vld.idx.msk [tilespmem:v29+s5+$0x0], $0xffff  }
0x100: {  	s2 =	sand.u32 $0x70, s0;
	s4 =	sand.u32 $0xC00, s28;
	v30 =	vld.idx.msk [tilespmem:v30+s5+$0x0], $0xffff  }
0x101: {  	s2 =	sor.u32 s2, s4;
	v31 =	vld.idx.msk [tilespmem:v31+s5+$0x0], $0xffff  }
0x102: {  	v0 =	vld.idx.msk [tilespmem:v0+s5+$0x0], $0xffff;
	[tilespmem:s2+$0x8400] =	vst v5  }
0x103: {  	[tilespmem:s2+$0x8480] =	vst v1  }
0x104: {  	[tilespmem:s2+$0x8500] =	vst v2  }
0x105: {  	[tilespmem:s2+$0x8580] =	vst v3  }
0x106: {  	[tilespmem:s2+$0x8600] =	vst v4  }
0x107: {  	s31 =	sor.u32 s28, s0;
	[tilespmem:s2+$0x8680] =	vst v6  }
0x108: {  	s4 =	sor.u32 $0x380, s31;
	[tilespmem:s2+$0x8700] =	vst v7  }
0x109: {  	[tilespmem:s4+$0x8400] =	vst v8  }
0x10a: {  	[tilespmem:s2+$0x9400] =	vst v9  }
0x10b: {  	[tilespmem:s2+$0x9480] =	vst v10  }
0x10c: {  	[tilespmem:s2+$0x9500] =	vst v11  }
0x10d: {  	[tilespmem:s2+$0x9580] =	vst v12  }
0x10e: {  	[tilespmem:s2+$0x9600] =	vst v13  }
0x10f: {  	[tilespmem:s2+$0x9680] =	vst v14  }
0x110: {  	[tilespmem:s2+$0x9700] =	vst v15  }
0x111: {  	[tilespmem:s2+$0x9780] =	vst v16  }
0x112: {  	[tilespmem:s2+$0xA400] =	vst v17  }
0x113: {  	[tilespmem:s2+$0xA480] =	vst v18  }
0x114: {  	[tilespmem:s2+$0xA500] =	vst v19  }
0x115: {  	[tilespmem:s2+$0xA580] =	vst v20  }
0x116: {  	[tilespmem:s2+$0xA600] =	vst v21  }
0x117: {  	[tilespmem:s2+$0xA680] =	vst v22  }
0x118: {  	[tilespmem:s2+$0xA700] =	vst v23  }
0x119: {  	[tilespmem:s2+$0xA780] =	vst v24  }
0x11a: {  	[tilespmem:s2+$0xB400] =	vst v25  }
0x11b: {  	[tilespmem:s2+$0xB480] =	vst v26  }
0x11c: {  	p1 =	sne.s32 s0, $0x1F0;
	[tilespmem:s2+$0xB500] =	vst v27  }
.Ltmp6:
0x11d: {  	[tilespmem:s2+$0xB580] =	vst v28;
	(pc) =	sbr.rel @p1 .LBB2_9-.Ltmp6, $4  }
0x11e: {  	[tilespmem:s2+$0xB600] =	vst v29  }
0x11f: {  	[tilespmem:s2+$0xB680] =	vst v30  }
0x120: {  	[tilespmem:s2+$0xB700] =	vst v31  }
0x121: {  	s28 =	sadd.s32 $0x80, s28;
	s29 =	sadd.s32 $0x10, s29;
	s0 =	sadd.s32 $0x10, s0;
	[tilespmem:s2+$0xB780] =	vst v0  }
.Ltmp7:
0x122: {  	(pc) =	sbr.rel .LBB2_11-.Ltmp7, $2  }
0x123: {  	_ =	sdelay $0x2  }
0x124: {  	[hbm4b:s12+s19] =	stream.strided.scatter [tilespmem:s21], [sflag:$0x3], $0x4000, s20, s19, $0x38;
	[tilespmem:$0x10400] =	vst v63  }
.LBB2_12:
0x125: {  	_ =	sfence.sel $0x180000  }
0x126: {  	[bflag:$0x0] =	sbarrier.arrive $0xFFFF  }
0x127: {  	_ =	strace $0x90000047  }
0x128: {  	s0 =	stileid.u32;
	[bflag:$0x2] =	sbarrier.arrive $0xFFFF  }
0x129: {  	p0 =	sne.s32 s0, $0x0;
	s0 =	rddreg [dreg:$0x3]  }
0x12a: {  	s0 =	sadd.s32 @!p0 $0x100000, s0  }
0x12b: {  	[sflag:s0] =	ssyncadd.tile.s32 @!p0 $0x1;
	_ =	shalt  }
.Lfunc_end2:
_tile_overlayer_lowered:
.L_overlay_start_2:
0x12c: {  	(tag) =	ssettag $0x2  }
0x12d: {  	s0 =	rddreg [dreg:$0x0];
	s2 =	stileid.u32  }
0x12e: {  	s1 =	rddreg [dreg:$0x1];
	p0 =	sne.s32 s2, $0x0  }
0x12f: {  	s3 =	rddreg [dreg:$0x2];
	[bflag:$0x3] =	sbarrier.arrive $0xFFFF;
	s2 =	simm.s32 @!p0 $0x1C05  }
0x130: {  	[timem:s3], [sflag:s2] =	dma.local @!p0 [hbm:s0], s1  }
0x131: {  	s0 =	simm.s32 @!p0 $0x5  }
0x132: {  	_ =	swait.ge @!p0 [sflag:s0], s1  }
0x133: {  	s1 =	ssub.s32 @!p0 $0x0, s1;
	[sflag:s0] =	ssyncset.done @!p0 $0x0  }
0x134: {  	[sflag:s0] =	ssyncadd.s32 @!p0 s1  }
0x135: {  	[bflag:$0x3] =	sbarrier.arrive $0xFFFF  }
0x136: {  	_ =	shalt  }

</sc_bundles>
